<compile_context>
chip_gen: v7x
topology: tpu7x:2x2x1
jax: 0.10.2.dev20260603
libtpu: 0.0.44.dev20260713+nightly
codegen_flags: <defaults>
</compile_context>

<pallas_src>
import dataclasses
import functools

import jax
import jax.numpy as jnp
from jax import lax
from jax.experimental import pallas as pl
from jax.experimental.pallas import tpu as pltpu
from jax.experimental.pallas import tpu_sc as plsc

NW = 32
CHUNK = 73728
SEG = 8192
L = 16


def _sc_scatter(m, n, tasks_per_worker):
    mesh = plsc.VectorSubcoreMesh(core_axis_name="c", subcore_axis_name="s")
    cp = pltpu.CompilerParams()
    if "needs_layout_passes" in pltpu.CompilerParams.__dataclass_fields__:
        cp = dataclasses.replace(cp, needs_layout_passes=False)

    @functools.partial(
        pl.kernel,
        mesh=mesh,
        compiler_params=cp,
        out_type=jax.ShapeDtypeStruct((m,), jnp.float32),
        scratch_types=[
            pltpu.VMEM((CHUNK,), jnp.float32),
            pltpu.VMEM((SEG,), jnp.int32),
            pltpu.VMEM((SEG,), jnp.float32),
            pltpu.VMEM((L,), jnp.int32),
        ],
    )
    def sc_scatter(gs_hbm, vs_hbm, starts_hbm, out_hbm,
                   buf, gbuf, vbuf, swin):
        wid = lax.axis_index("s") * 2 + lax.axis_index("c")
        lanes = lax.iota(jnp.int32, L)
        zeros16 = jnp.zeros((L,), jnp.float32)

        @pl.loop(0, tasks_per_worker)
        def _task(t):
            k = wid * tasks_per_worker + t
            lo = pl.multiple_of(k * CHUNK, 8)

            k8 = pl.multiple_of(k - k % 8, 8)
            pltpu.sync_copy(starts_hbm.at[pl.ds(k8, L)], swin)
            w = swin[...]
            lane = k - k8
            s = jnp.max(jnp.where(lanes == jnp.full((L,), lane), w, 0))
            e = jnp.max(jnp.where(lanes == jnp.full((L,), lane + 1), w, 0))
            s8 = pl.multiple_of(s - s % 8, 8)
            nseg = (e - s8 + SEG - 1) // SEG

            @pl.loop(0, CHUNK, step=8 * L)
            def _zero(z):
                for u in range(8):
                    buf[pl.ds(z + u * L, L)] = zeros16

            lim = n - SEG

            @pl.loop(0, nseg)
            def _seg(i):
                off = pl.multiple_of(jnp.minimum(s8 + i * SEG, lim), 8)
                pltpu.sync_copy(gs_hbm.at[pl.ds(off, SEG)], gbuf)
                pltpu.sync_copy(vs_hbm.at[pl.ds(off, SEG)], vbuf)
                lo16 = jnp.full((L,), lo)

                @pl.loop(0, SEG, step=L)
                def _grp(j):
                    gv = gbuf[pl.ds(j, L)]
                    vv = vbuf[pl.ds(j, L)]
                    gloc = gv - lo16
                    keep = (gloc >= 0) & (gloc < jnp.full((L,), CHUNK))
                    plsc.store_scatter(buf, [gloc], vv, mask=keep)

            pltpu.sync_copy(buf, out_hbm.at[pl.ds(lo, CHUNK)])

    return sc_scatter


def _sc_hist(n, nchunk):
    mesh = plsc.VectorSubcoreMesh(core_axis_name="c", subcore_axis_name="s")
    cp = pltpu.CompilerParams()
    if "needs_layout_passes" in pltpu.CompilerParams.__dataclass_fields__:
        cp = dataclasses.replace(cp, needs_layout_passes=False)
    span = n // NW
    nseg = span // SEG

    @functools.partial(
        pl.kernel,
        mesh=mesh,
        compiler_params=cp,
        out_type=jax.ShapeDtypeStruct((NW, nchunk), jnp.int32),
        scratch_types=[
            pltpu.VMEM((nchunk,), jnp.int32),
            pltpu.VMEM((SEG,), jnp.int32),
        ],
    )
    def sc_hist(g_hbm, out_hbm, hist, gbuf):
        wid = lax.axis_index("s") * 2 + lax.axis_index("c")
        zeros16 = jnp.zeros((L,), jnp.int32)
        ones16 = jnp.ones((L,), jnp.int32)
        chunk16 = jnp.full((L,), CHUNK)

        @pl.loop(0, nchunk, step=L)
        def _zero(z):
            hist[pl.ds(z, L)] = zeros16

        base = pl.multiple_of(wid * span, 8)

        @pl.loop(0, nseg)
        def _seg(i):
            off = pl.multiple_of(base + i * SEG, 8)
            pltpu.sync_copy(g_hbm.at[pl.ds(off, SEG)], gbuf)

            @pl.loop(0, SEG, step=L)
            def _grp(j):
                bins = gbuf[pl.ds(j, L)] // chunk16
                plsc.addupdate_scatter(hist, [bins], ones16)

        pltpu.sync_copy(hist, out_hbm.at[wid])

    return sc_hist


def kernel(x, indices):
    b, c, h, w = x.shape
    ho, wo = 2 * h, 2 * w
    n = b * c * h * w
    m = b * c * ho * wo
    nchunk = m // CHUNK
    tasks_per_worker = nchunk // NW

    idx = indices.reshape(b, c, h * w)
    bi = lax.broadcasted_iota(jnp.int32, (b, c, h * w), 0)
    ci = lax.broadcasted_iota(jnp.int32, (b, c, h * w), 1)
    g = ((bi * c + ci) * (ho * wo) + idx).reshape(n)
    v = x.reshape(n)

    gs, vs = lax.sort((g, v), dimension=0, is_stable=False, num_keys=1)

    hist = _sc_hist(n, nchunk)(g).sum(axis=0, dtype=jnp.int32)
    starts = jnp.concatenate(
        [jnp.zeros(1, jnp.int32), jnp.cumsum(hist, dtype=jnp.int32)])
    starts_p = jnp.concatenate(
        [starts, jnp.full(16 - (nchunk + 1) % 16, n, jnp.int32)])

    out = _sc_scatter(m, n, tasks_per_worker)(gs, vs, starts_p)
    return out.reshape(b, c, ho, wo)

# --- scband reference (transcript-rebuilt; emitter-appended) ---
"""Pipeline reference for scband-uppool-79963701117107 (READ-ONLY COPY).

The authoritative reference and input builder live on the scoring server;
editing this copy changes nothing except your own understanding.
"""

import jax, jax.numpy as jnp
import numpy as np

B, C, H, W = 4, 96, 192, 192
HO, WO = 2 * H, 2 * W


def setup_inputs(seed: int = 0) -> dict:
    key = jax.random.key(seed)
    k1, k2 = jax.random.split(key)
    x = jax.random.normal(k1, (B, C, H, W), dtype=jnp.float32)
    indices = jax.random.randint(k2, (B, C, H, W), 0, HO * WO, dtype=jnp.int64)
    return {"x": x, "indices": indices}


def reference(x, indices):
    # MaxUnpool2d(kernel_size=2, stride=2): scatter each input value into a
    # zero-initialized [B, C, 2H, 2W] output at the flattened spatial position
    # given by `indices` (per batch, per channel), matching torch semantics.
    b, c, h, w = x.shape
    ho, wo = 2 * h, 2 * w
    xf = x.reshape(b, c, h * w)
    idx = indices.reshape(b, c, h * w)
    bi = jnp.arange(b)[:, None, None]
    ci = jnp.arange(c)[None, :, None]
    out = jnp.zeros((b, c, ho * wo), dtype=x.dtype)
    out = out.at[bi, ci, idx].set(xf)
    return out.reshape(b, c, ho, wo)

if __name__ == "__main__":
    import jax
    _d = setup_inputs()
    print(jax.jit(kernel)(*tuple(_d.values())))

</pallas_src>

<mosaic_0001>
#map = affine_map<(d0, d1) -> (0)>
module attributes {stable_mosaic.version = 14 : i64} {
  func.func @sc_scatter(%arg0: i32, %arg1: i32, %arg2: memref<14155776xi32, #tpu.memory_space<hbm>>, %arg3: memref<14155776xf32, #tpu.memory_space<hbm>>, %arg4: memref<784xi32, #tpu.memory_space<hbm>>, %arg5: memref<56623104xf32, #tpu.memory_space<hbm>>, %arg6: memref<73728xf32, #tpu.memory_space<vmem>>, %arg7: memref<8192xi32, #tpu.memory_space<vmem>>, %arg8: memref<8192xf32, #tpu.memory_space<vmem>>, %arg9: memref<16xi32, #tpu.memory_space<vmem>>) attributes {dimension_semantics = [#tpu.dimension_semantics<core_parallel>, #tpu.dimension_semantics<subcore_parallel>], iteration_bounds = array<i64: 2, 16>, scalar_prefetch = 0 : i64, scratch_operands = 4 : i64, tpu.core_type = #tpu.core_type<sc_vector_subcore>, window_params = [{transform_indices = #map}, {transform_indices = #map}, {transform_indices = #map}, {transform_indices = #map}]} {
    %mul3A = arith.constant 2 : i32
    %mul3A_0 = arith.muli %arg1, %mul3A : i32
    %add3A = arith.addi %mul3A_0, %arg0 : i32
    %iota3A = tpu.iota {dimensions = array<i32: 0>} : vector<16xi32>
    %broadcast_in_dim3A = arith.constant 0.000000e+00 : f32
    %broadcast_in_dim3A_1 = vector.broadcast %broadcast_in_dim3A : f32 to vector<16xf32>
    %scan3A = arith.constant 0 : i32
    %scan3A_2 = arith.constant 24 : i32
    %scan3A_3 = arith.addi %scan3A, %scan3A_2 : i32
    %scan3A_4 = arith.constant 1 : i32
    scf.for %scan3A_6 = %scan3A to %scan3A_3 step %scan3A_4  : i32 {
      %mul3A_7 = arith.constant 1 : i32
      %mul3A_8 = arith.muli %scan3A_6, %mul3A_7 : i32
      %add3A_9 = arith.constant 0 : i32
      %add3A_10 = arith.addi %add3A_9, %mul3A_8 : i32
      %mul3A_11 = arith.constant 24 : i32
      %mul3A_12 = arith.muli %add3A, %mul3A_11 : i32
      %add3A_13 = arith.addi %mul3A_12, %add3A_10 : i32
      %mul3A_14 = arith.constant 73728 : i32
      %mul3A_15 = arith.muli %add3A_13, %mul3A_14 : i32
      %multiple_of3A = tpu.assume_multiple %mul3A_15, 8 : i32
      %jit3A = arith.constant 8 : i32
      %eq3A = arith.constant 0 : i32
      %eq3A_16 = arith.cmpi eq, %jit3A, %eq3A : i32
      %jit3A_17 = arith.constant 1 : i32
      %select_n3A = arith.select %eq3A_16, %jit3A_17, %jit3A : i32
      %rem3A = arith.remsi %add3A_13, %select_n3A : i32
      %ne3A = arith.constant 0 : i32
      %ne3A_18 = arith.cmpi ne, %rem3A, %ne3A : i32
      %lt3A = arith.constant 0 : i32
      %lt3A_19 = arith.cmpi slt, %rem3A, %lt3A : i32
      %lt3A_20 = arith.constant 0 : i32
      %lt3A_21 = arith.cmpi slt, %select_n3A, %lt3A_20 : i32
      %ne3A_22 = arith.xori %lt3A_19, %lt3A_21 : i1
      %and3A = arith.andi %ne3A_22, %ne3A_18 : i1
      %add3A_23 = arith.addi %rem3A, %select_n3A : i32
      %select_n3A_24 = arith.select %and3A, %add3A_23, %rem3A : i32
      %sub3A = arith.subi %add3A_13, %select_n3A_24 : i32
      %multiple_of3A_25 = tpu.assume_multiple %sub3A, 8 : i32
      "tpu.region"() ({
        %run_scoped3A = tpu.sem_alloc : memref<!tpu.dma_semaphore, #tpu.memory_space<semaphore_mem>>
        %dma_start3A = tpu.memref_slice %arg4[%multiple_of3A_25] : memref<784xi32, #tpu.memory_space<hbm>> -> memref<16xi32, #tpu.memory_space<hbm>>
        %dma_start3A_123 = tpu.memref_slice %arg4[%multiple_of3A_25] : memref<784xi32, #tpu.memory_space<hbm>> -> memref<16xi32, #tpu.memory_space<hbm>>
        tpu.enqueue_dma source(%dma_start3A_123 : memref<16xi32, #tpu.memory_space<hbm>>) target(%arg9 : memref<16xi32, #tpu.memory_space<vmem>>) target_semaphore(%run_scoped3A : memref<!tpu.dma_semaphore, #tpu.memory_space<semaphore_mem>>)
        %dma_wait3A = tpu.memref_slice %arg4[%multiple_of3A_25] : memref<784xi32, #tpu.memory_space<hbm>> -> memref<16xi32, #tpu.memory_space<hbm>>
        %dma_wait3A_124 = tpu.memref_slice %arg4[%multiple_of3A_25] : memref<784xi32, #tpu.memory_space<hbm>> -> memref<16xi32, #tpu.memory_space<hbm>>
        tpu.wait_dma2 semaphore(%run_scoped3A : memref<!tpu.dma_semaphore, #tpu.memory_space<semaphore_mem>>) src(%dma_wait3A_124 : memref<16xi32, #tpu.memory_space<hbm>>) dst(%arg9 : memref<16xi32, #tpu.memory_space<vmem>>)
        tpu.yield
      }) : () -> ()
      %get3A = arith.constant 0 : index
      %get3A_26 = tpu.vector_load %arg9[%get3A] {strides = array<i32>} : memref<16xi32, #tpu.memory_space<vmem>>, vector<16xi32>,
      %sub3A_27 = arith.subi %add3A_13, %multiple_of3A_25 : i32
      %broadcast_in_dim3A_28 = vector.broadcast %sub3A_27 : i32 to vector<16xi32>
      %eq3A_29 = arith.cmpi eq, %iota3A, %broadcast_in_dim3A_28 : vector<16xi32>
      %jit3A_30 = arith.constant 0 : i32
      %broadcast_in_dim3A_31 = vector.broadcast %jit3A_30 : i32 to vector<16xi32>
      %select_n3A_32 = arith.select %eq3A_29, %get3A_26, %broadcast_in_dim3A_31 : vector<16xi1>, vector<16xi32>
      %reduce_max3A = arith.constant true
      %reduce_max3A_33 = vector.broadcast %reduce_max3A : i1 to vector<16xi1>
      %reduce_max3A_34 = arith.constant -2147483648 : i32
      %reduce_max3A_35 = vector.broadcast %reduce_max3A_34 : i32 to vector<16xi32>
      %reduce_max3A_36 = arith.xori %select_n3A_32, %reduce_max3A_35 : vector<16xi32>
      %reduce_max3A_37 = tpu.scan <max>, %reduce_max3A_36 masked %reduce_max3A_33 : vector<16xi32>, vector<16xi1> -> vector<16xi32>
      %reduce_max3A_38 = arith.xori %reduce_max3A_37, %reduce_max3A_35 : vector<16xi32>
      %reduce_max3A_39 = vector.extract %reduce_max3A_38[15] : i32 from vector<16xi32>
      %add3A_40 = arith.constant 1 : i32
      %add3A_41 = arith.addi %sub3A_27, %add3A_40 : i32
      %broadcast_in_dim3A_42 = vector.broadcast %add3A_41 : i32 to vector<16xi32>
      %eq3A_43 = arith.cmpi eq, %iota3A, %broadcast_in_dim3A_42 : vector<16xi32>
      %jit3A_44 = arith.constant 0 : i32
      %broadcast_in_dim3A_45 = vector.broadcast %jit3A_44 : i32 to vector<16xi32>
      %select_n3A_46 = arith.select %eq3A_43, %get3A_26, %broadcast_in_dim3A_45 : vector<16xi1>, vector<16xi32>
      %reduce_max3A_47 = arith.constant true
      %reduce_max3A_48 = vector.broadcast %reduce_max3A_47 : i1 to vector<16xi1>
      %reduce_max3A_49 = arith.constant -2147483648 : i32
      %reduce_max3A_50 = vector.broadcast %reduce_max3A_49 : i32 to vector<16xi32>
      %reduce_max3A_51 = arith.xori %select_n3A_46, %reduce_max3A_50 : vector<16xi32>
      %reduce_max3A_52 = tpu.scan <max>, %reduce_max3A_51 masked %reduce_max3A_48 : vector<16xi32>, vector<16xi1> -> vector<16xi32>
      %reduce_max3A_53 = arith.xori %reduce_max3A_52, %reduce_max3A_50 : vector<16xi32>
      %reduce_max3A_54 = vector.extract %reduce_max3A_53[15] : i32 from vector<16xi32>
      %jit3A_55 = arith.constant 8 : i32
      %eq3A_56 = arith.constant 0 : i32
      %eq3A_57 = arith.cmpi eq, %jit3A_55, %eq3A_56 : i32
      %jit3A_58 = arith.constant 1 : i32
      %select_n3A_59 = arith.select %eq3A_57, %jit3A_58, %jit3A_55 : i32
      %rem3A_60 = arith.remsi %reduce_max3A_39, %select_n3A_59 : i32
      %ne3A_61 = arith.constant 0 : i32
      %ne3A_62 = arith.cmpi ne, %rem3A_60, %ne3A_61 : i32
      %lt3A_63 = arith.constant 0 : i32
      %lt3A_64 = arith.cmpi slt, %rem3A_60, %lt3A_63 : i32
      %lt3A_65 = arith.constant 0 : i32
      %lt3A_66 = arith.cmpi slt, %select_n3A_59, %lt3A_65 : i32
      %ne3A_67 = arith.xori %lt3A_64, %lt3A_66 : i1
      %and3A_68 = arith.andi %ne3A_67, %ne3A_62 : i1
      %add3A_69 = arith.addi %rem3A_60, %select_n3A_59 : i32
      %select_n3A_70 = arith.select %and3A_68, %add3A_69, %rem3A_60 : i32
      %sub3A_71 = arith.subi %reduce_max3A_39, %select_n3A_70 : i32
      %multiple_of3A_72 = tpu.assume_multiple %sub3A_71, 8 : i32
      %sub3A_73 = arith.subi %reduce_max3A_54, %multiple_of3A_72 : i32
      %add3A_74 = arith.constant 8192 : i32
      %add3A_75 = arith.addi %sub3A_73, %add3A_74 : i32
      %sub3A_76 = arith.constant 1 : i32
      %sub3A_77 = arith.subi %add3A_75, %sub3A_76 : i32
      %jit3A_78 = arith.constant 8192 : i32
      %div3A = arith.divsi %sub3A_77, %jit3A_78 : i32
      %sign3A = arith.constant 0 : i32
      %sign3A_79 = arith.cmpi sgt, %sub3A_77, %sign3A : i32
      %sign3A_80 = arith.extui %sign3A_79 : i1 to i32
      %sign3A_81 = arith.constant 0 : i32
      %sign3A_82 = arith.cmpi slt, %sub3A_77, %sign3A_81 : i32
      %sign3A_83 = arith.extui %sign3A_82 : i1 to i32
      %sign3A_84 = arith.subi %sign3A_80, %sign3A_83 : i32
      %sign3A_85 = arith.constant 0 : i32
      %sign3A_86 = arith.cmpi sgt, %jit3A_78, %sign3A_85 : i32
      %sign3A_87 = arith.extui %sign3A_86 : i1 to i32
      %sign3A_88 = arith.constant 0 : i32
      %sign3A_89 = arith.cmpi slt, %jit3A_78, %sign3A_88 : i32
      %sign3A_90 = arith.extui %sign3A_89 : i1 to i32
      %sign3A_91 = arith.subi %sign3A_87, %sign3A_90 : i32
      %ne3A_92 = arith.cmpi ne, %sign3A_84, %sign3A_91 : i32
      %rem3A_93 = arith.remsi %sub3A_77, %jit3A_78 : i32
      %ne3A_94 = arith.constant 0 : i32
      %ne3A_95 = arith.cmpi ne, %rem3A_93, %ne3A_94 : i32
      %and3A_96 = arith.andi %ne3A_92, %ne3A_95 : i1
      %sub3A_97 = arith.constant 1 : i32
      %sub3A_98 = arith.subi %div3A, %sub3A_97 : i32
      %select_n3A_99 = arith.select %and3A_96, %sub3A_98, %div3A : i32
      %scan3A_100 = arith.constant 0 : i32
      %scan3A_101 = arith.constant 576 : i32
      %scan3A_102 = arith.addi %scan3A_100, %scan3A_101 : i32
      %scan3A_103 = arith.constant 1 : i32
      scf.for %scan3A_123 = %scan3A_100 to %scan3A_102 step %scan3A_103  : i32 {
        %mul3A_124 = arith.constant 128 : i32
        %mul3A_125 = arith.muli %scan3A_123, %mul3A_124 : i32
        %add3A_126 = arith.constant 0 : i32
        %add3A_127 = arith.addi %add3A_126, %mul3A_125 : i32
        %add3A_128 = arith.constant 0 : i32
        %add3A_129 = arith.addi %add3A_127, %add3A_128 : i32
        %swap3A = arith.index_cast %add3A_129 : i32 to index
        %swap3A_130 = tpu.vector_load %arg6[%swap3A] {strides = array<i32>} : memref<73728xf32, #tpu.memory_space<vmem>>, vector<16xf32>,
        tpu.vector_store %arg6[%swap3A], %broadcast_in_dim3A_1 {strides = array<i32>} : memref<73728xf32, #tpu.memory_space<vmem>>, vector<16xf32>,
        %add3A_131 = arith.constant 16 : i32
        %add3A_132 = arith.addi %add3A_127, %add3A_131 : i32
        %swap3A_133 = arith.index_cast %add3A_132 : i32 to index
        %swap3A_134 = tpu.vector_load %arg6[%swap3A_133] {strides = array<i32>} : memref<73728xf32, #tpu.memory_space<vmem>>, vector<16xf32>,
        tpu.vector_store %arg6[%swap3A_133], %broadcast_in_dim3A_1 {strides = array<i32>} : memref<73728xf32, #tpu.memory_space<vmem>>, vector<16xf32>,
        %add3A_135 = arith.constant 32 : i32
        %add3A_136 = arith.addi %add3A_127, %add3A_135 : i32
        %swap3A_137 = arith.index_cast %add3A_136 : i32 to index
        %swap3A_138 = tpu.vector_load %arg6[%swap3A_137] {strides = array<i32>} : memref<73728xf32, #tpu.memory_space<vmem>>, vector<16xf32>,
        tpu.vector_store %arg6[%swap3A_137], %broadcast_in_dim3A_1 {strides = array<i32>} : memref<73728xf32, #tpu.memory_space<vmem>>, vector<16xf32>,
        %add3A_139 = arith.constant 48 : i32
        %add3A_140 = arith.addi %add3A_127, %add3A_139 : i32
        %swap3A_141 = arith.index_cast %add3A_140 : i32 to index
        %swap3A_142 = tpu.vector_load %arg6[%swap3A_141] {strides = array<i32>} : memref<73728xf32, #tpu.memory_space<vmem>>, vector<16xf32>,
        tpu.vector_store %arg6[%swap3A_141], %broadcast_in_dim3A_1 {strides = array<i32>} : memref<73728xf32, #tpu.memory_space<vmem>>, vector<16xf32>,
        %add3A_143 = arith.constant 64 : i32
        %add3A_144 = arith.addi %add3A_127, %add3A_143 : i32
        %swap3A_145 = arith.index_cast %add3A_144 : i32 to index
        %swap3A_146 = tpu.vector_load %arg6[%swap3A_145] {strides = array<i32>} : memref<73728xf32, #tpu.memory_space<vmem>>, vector<16xf32>,
        tpu.vector_store %arg6[%swap3A_145], %broadcast_in_dim3A_1 {strides = array<i32>} : memref<73728xf32, #tpu.memory_space<vmem>>, vector<16xf32>,
        %add3A_147 = arith.constant 80 : i32
        %add3A_148 = arith.addi %add3A_127, %add3A_147 : i32
        %swap3A_149 = arith.index_cast %add3A_148 : i32 to index
        %swap3A_150 = tpu.vector_load %arg6[%swap3A_149] {strides = array<i32>} : memref<73728xf32, #tpu.memory_space<vmem>>, vector<16xf32>,
        tpu.vector_store %arg6[%swap3A_149], %broadcast_in_dim3A_1 {strides = array<i32>} : memref<73728xf32, #tpu.memory_space<vmem>>, vector<16xf32>,
        %add3A_151 = arith.constant 96 : i32
        %add3A_152 = arith.addi %add3A_127, %add3A_151 : i32
        %swap3A_153 = arith.index_cast %add3A_152 : i32 to index
        %swap3A_154 = tpu.vector_load %arg6[%swap3A_153] {strides = array<i32>} : memref<73728xf32, #tpu.memory_space<vmem>>, vector<16xf32>,
        tpu.vector_store %arg6[%swap3A_153], %broadcast_in_dim3A_1 {strides = array<i32>} : memref<73728xf32, #tpu.memory_space<vmem>>, vector<16xf32>,
        %add3A_155 = arith.constant 112 : i32
        %add3A_156 = arith.addi %add3A_127, %add3A_155 : i32
        %swap3A_157 = arith.index_cast %add3A_156 : i32 to index
        %swap3A_158 = tpu.vector_load %arg6[%swap3A_157] {strides = array<i32>} : memref<73728xf32, #tpu.memory_space<vmem>>, vector<16xf32>,
        tpu.vector_store %arg6[%swap3A_157], %broadcast_in_dim3A_1 {strides = array<i32>} : memref<73728xf32, #tpu.memory_space<vmem>>, vector<16xf32>,
      }
      %scan3A_104 = arith.constant 576 : i32
      %sub3A_105 = arith.constant 0 : i32
      %sub3A_106 = arith.subi %select_n3A_99, %sub3A_105 : i32
      %sub3A_107 = arith.constant 1 : i32
      %sub3A_108 = arith.constant 1 : i32
      %sub3A_109 = arith.subi %sub3A_107, %sub3A_108 : i32
      %add3A_110 = arith.addi %sub3A_106, %sub3A_109 : i32
      %div3A_111 = arith.constant 1 : i32
      %div3A_112 = arith.divsi %add3A_110, %div3A_111 : i32
      %while3A = arith.constant 1 : i32
      %while3A_113 = arith.constant 0 : i32
      %while3A_114 = arith.constant 0 : i32
      %while3A_115 = arith.subi %div3A_112, %while3A_114 : i32
      %while3A_116 = arith.addi %while3A_114, %while3A_115 : i32
      %while3A_117 = arith.constant 1 : i32
      %while3A_118 = arith.divsi %while3A_115, %while3A_117 : i32
      %while3A_119 = arith.muli %while3A_118, %while3A_117 : i32
      %while3A_120 = arith.addi %while3A_114, %while3A_119 : i32
      %while3A_121 = arith.constant 1 : i32
      scf.for %while3A_123 = %while3A_114 to %while3A_120 step %while3A_121  : i32 {
        %mul3A_124 = arith.muli %while3A_123, %while3A : i32
        %add3A_125 = arith.addi %while3A_113, %mul3A_124 : i32
        %mul3A_126 = arith.constant 8192 : i32
        %mul3A_127 = arith.muli %add3A_125, %mul3A_126 : i32
        %add3A_128 = arith.addi %multiple_of3A_72, %mul3A_127 : i32
        %min3A = arith.constant 14147584 : i32
        %min3A_129 = arith.minsi %add3A_128, %min3A : i32
        %multiple_of3A_130 = tpu.assume_multiple %min3A_129, 8 : i32
        "tpu.region"() ({
          %run_scoped3A = tpu.sem_alloc : memref<!tpu.dma_semaphore, #tpu.memory_space<semaphore_mem>>
          %dma_start3A = tpu.memref_slice %arg2[%multiple_of3A_130] : memref<14155776xi32, #tpu.memory_space<hbm>> -> memref<8192xi32, #tpu.memory_space<hbm>>
          %dma_start3A_137 = tpu.memref_slice %arg2[%multiple_of3A_130] : memref<14155776xi32, #tpu.memory_space<hbm>> -> memref<8192xi32, #tpu.memory_space<hbm>>
          tpu.enqueue_dma source(%dma_start3A_137 : memref<8192xi32, #tpu.memory_space<hbm>>) target(%arg7 : memref<8192xi32, #tpu.memory_space<vmem>>) target_semaphore(%run_scoped3A : memref<!tpu.dma_semaphore, #tpu.memory_space<semaphore_mem>>)
          %dma_wait3A = tpu.memref_slice %arg2[%multiple_of3A_130] : memref<14155776xi32, #tpu.memory_space<hbm>> -> memref<8192xi32, #tpu.memory_space<hbm>>
          %dma_wait3A_138 = tpu.memref_slice %arg2[%multiple_of3A_130] : memref<14155776xi32, #tpu.memory_space<hbm>> -> memref<8192xi32, #tpu.memory_space<hbm>>
          tpu.wait_dma2 semaphore(%run_scoped3A : memref<!tpu.dma_semaphore, #tpu.memory_space<semaphore_mem>>) src(%dma_wait3A_138 : memref<8192xi32, #tpu.memory_space<hbm>>) dst(%arg7 : memref<8192xi32, #tpu.memory_space<vmem>>)
          tpu.yield
        }) : () -> ()
        "tpu.region"() ({
          %run_scoped3A = tpu.sem_alloc : memref<!tpu.dma_semaphore, #tpu.memory_space<semaphore_mem>>
          %dma_start3A = tpu.memref_slice %arg3[%multiple_of3A_130] : memref<14155776xf32, #tpu.memory_space<hbm>> -> memref<8192xf32, #tpu.memory_space<hbm>>
          %dma_start3A_137 = tpu.memref_slice %arg3[%multiple_of3A_130] : memref<14155776xf32, #tpu.memory_space<hbm>> -> memref<8192xf32, #tpu.memory_space<hbm>>
          tpu.enqueue_dma source(%dma_start3A_137 : memref<8192xf32, #tpu.memory_space<hbm>>) target(%arg8 : memref<8192xf32, #tpu.memory_space<vmem>>) target_semaphore(%run_scoped3A : memref<!tpu.dma_semaphore, #tpu.memory_space<semaphore_mem>>)
          %dma_wait3A = tpu.memref_slice %arg3[%multiple_of3A_130] : memref<14155776xf32, #tpu.memory_space<hbm>> -> memref<8192xf32, #tpu.memory_space<hbm>>
          %dma_wait3A_138 = tpu.memref_slice %arg3[%multiple_of3A_130] : memref<14155776xf32, #tpu.memory_space<hbm>> -> memref<8192xf32, #tpu.memory_space<hbm>>
          tpu.wait_dma2 semaphore(%run_scoped3A : memref<!tpu.dma_semaphore, #tpu.memory_space<semaphore_mem>>) src(%dma_wait3A_138 : memref<8192xf32, #tpu.memory_space<hbm>>) dst(%arg8 : memref<8192xf32, #tpu.memory_space<vmem>>)
          tpu.yield
        }) : () -> ()
        %broadcast_in_dim3A_131 = vector.broadcast %multiple_of3A : i32 to vector<16xi32>
        %scan3A_132 = arith.constant 0 : i32
        %scan3A_133 = arith.constant 512 : i32
        %scan3A_134 = arith.addi %scan3A_132, %scan3A_133 : i32
        %scan3A_135 = arith.constant 1 : i32
        scf.for %scan3A_137 = %scan3A_132 to %scan3A_134 step %scan3A_135  : i32 {
          %mul3A_138 = arith.constant 16 : i32
          %mul3A_139 = arith.muli %scan3A_137, %mul3A_138 : i32
          %add3A_140 = arith.constant 0 : i32
          %add3A_141 = arith.addi %add3A_140, %mul3A_139 : i32
          %get3A_142 = arith.index_cast %add3A_141 : i32 to index
          %get3A_143 = tpu.vector_load %arg7[%get3A_142] {strides = array<i32>} : memref<8192xi32, #tpu.memory_space<vmem>>, vector<16xi32>,
          %get3A_144 = arith.index_cast %add3A_141 : i32 to index
          %get3A_145 = tpu.vector_load %arg8[%get3A_144] {strides = array<i32>} : memref<8192xf32, #tpu.memory_space<vmem>>, vector<16xf32>,
          %sub3A_146 = arith.subi %get3A_143, %broadcast_in_dim3A_131 : vector<16xi32>
          %ge3A = arith.constant 0 : i32
          %ge3A_147 = vector.broadcast %ge3A : i32 to vector<16xi32>
          %ge3A_148 = arith.cmpi sge, %sub3A_146, %ge3A_147 : vector<16xi32>
          %broadcast_in_dim3A_149 = arith.constant 73728 : i32
          %broadcast_in_dim3A_150 = vector.broadcast %broadcast_in_dim3A_149 : i32 to vector<16xi32>
          %lt3A_151 = arith.cmpi slt, %sub3A_146, %broadcast_in_dim3A_150 : vector<16xi32>
          %and3A_152 = arith.andi %ge3A_148, %lt3A_151 : vector<16xi1>
          tpu.vector_store_idx %arg6[%sub3A_146], %get3A_145 masked %and3A_152 : memref<73728xf32, #tpu.memory_space<vmem>>[vector<16xi32>], vector<16xf32>, vector<16xi1>
        }
        %scan3A_136 = arith.constant 512 : i32
      }
      %while3A_122 = arith.constant 1 : i32
      scf.for %while3A_123 = %while3A_120 to %while3A_116 step %while3A_122  : i32 {
        %mul3A_124 = arith.muli %while3A_123, %while3A : i32
        %add3A_125 = arith.addi %while3A_113, %mul3A_124 : i32
        %mul3A_126 = arith.constant 8192 : i32
        %mul3A_127 = arith.muli %add3A_125, %mul3A_126 : i32
        %add3A_128 = arith.addi %multiple_of3A_72, %mul3A_127 : i32
        %min3A = arith.constant 14147584 : i32
        %min3A_129 = arith.minsi %add3A_128, %min3A : i32
        %multiple_of3A_130 = tpu.assume_multiple %min3A_129, 8 : i32
        "tpu.region"() ({
          %run_scoped3A = tpu.sem_alloc : memref<!tpu.dma_semaphore, #tpu.memory_space<semaphore_mem>>
          %dma_start3A = tpu.memref_slice %arg2[%multiple_of3A_130] : memref<14155776xi32, #tpu.memory_space<hbm>> -> memref<8192xi32, #tpu.memory_space<hbm>>
          %dma_start3A_137 = tpu.memref_slice %arg2[%multiple_of3A_130] : memref<14155776xi32, #tpu.memory_space<hbm>> -> memref<8192xi32, #tpu.memory_space<hbm>>
          tpu.enqueue_dma source(%dma_start3A_137 : memref<8192xi32, #tpu.memory_space<hbm>>) target(%arg7 : memref<8192xi32, #tpu.memory_space<vmem>>) target_semaphore(%run_scoped3A : memref<!tpu.dma_semaphore, #tpu.memory_space<semaphore_mem>>)
          %dma_wait3A = tpu.memref_slice %arg2[%multiple_of3A_130] : memref<14155776xi32, #tpu.memory_space<hbm>> -> memref<8192xi32, #tpu.memory_space<hbm>>
          %dma_wait3A_138 = tpu.memref_slice %arg2[%multiple_of3A_130] : memref<14155776xi32, #tpu.memory_space<hbm>> -> memref<8192xi32, #tpu.memory_space<hbm>>
          tpu.wait_dma2 semaphore(%run_scoped3A : memref<!tpu.dma_semaphore, #tpu.memory_space<semaphore_mem>>) src(%dma_wait3A_138 : memref<8192xi32, #tpu.memory_space<hbm>>) dst(%arg7 : memref<8192xi32, #tpu.memory_space<vmem>>)
          tpu.yield
        }) : () -> ()
        "tpu.region"() ({
          %run_scoped3A = tpu.sem_alloc : memref<!tpu.dma_semaphore, #tpu.memory_space<semaphore_mem>>
          %dma_start3A = tpu.memref_slice %arg3[%multiple_of3A_130] : memref<14155776xf32, #tpu.memory_space<hbm>> -> memref<8192xf32, #tpu.memory_space<hbm>>
          %dma_start3A_137 = tpu.memref_slice %arg3[%multiple_of3A_130] : memref<14155776xf32, #tpu.memory_space<hbm>> -> memref<8192xf32, #tpu.memory_space<hbm>>
          tpu.enqueue_dma source(%dma_start3A_137 : memref<8192xf32, #tpu.memory_space<hbm>>) target(%arg8 : memref<8192xf32, #tpu.memory_space<vmem>>) target_semaphore(%run_scoped3A : memref<!tpu.dma_semaphore, #tpu.memory_space<semaphore_mem>>)
          %dma_wait3A = tpu.memref_slice %arg3[%multiple_of3A_130] : memref<14155776xf32, #tpu.memory_space<hbm>> -> memref<8192xf32, #tpu.memory_space<hbm>>
          %dma_wait3A_138 = tpu.memref_slice %arg3[%multiple_of3A_130] : memref<14155776xf32, #tpu.memory_space<hbm>> -> memref<8192xf32, #tpu.memory_space<hbm>>
          tpu.wait_dma2 semaphore(%run_scoped3A : memref<!tpu.dma_semaphore, #tpu.memory_space<semaphore_mem>>) src(%dma_wait3A_138 : memref<8192xf32, #tpu.memory_space<hbm>>) dst(%arg8 : memref<8192xf32, #tpu.memory_space<vmem>>)
          tpu.yield
        }) : () -> ()
        %broadcast_in_dim3A_131 = vector.broadcast %multiple_of3A : i32 to vector<16xi32>
        %scan3A_132 = arith.constant 0 : i32
        %scan3A_133 = arith.constant 512 : i32
        %scan3A_134 = arith.addi %scan3A_132, %scan3A_133 : i32
        %scan3A_135 = arith.constant 1 : i32
        scf.for %scan3A_137 = %scan3A_132 to %scan3A_134 step %scan3A_135  : i32 {
          %mul3A_138 = arith.constant 16 : i32
          %mul3A_139 = arith.muli %scan3A_137, %mul3A_138 : i32
          %add3A_140 = arith.constant 0 : i32
          %add3A_141 = arith.addi %add3A_140, %mul3A_139 : i32
          %get3A_142 = arith.index_cast %add3A_141 : i32 to index
          %get3A_143 = tpu.vector_load %arg7[%get3A_142] {strides = array<i32>} : memref<8192xi32, #tpu.memory_space<vmem>>, vector<16xi32>,
          %get3A_144 = arith.index_cast %add3A_141 : i32 to index
          %get3A_145 = tpu.vector_load %arg8[%get3A_144] {strides = array<i32>} : memref<8192xf32, #tpu.memory_space<vmem>>, vector<16xf32>,
          %sub3A_146 = arith.subi %get3A_143, %broadcast_in_dim3A_131 : vector<16xi32>
          %ge3A = arith.constant 0 : i32
          %ge3A_147 = vector.broadcast %ge3A : i32 to vector<16xi32>
          %ge3A_148 = arith.cmpi sge, %sub3A_146, %ge3A_147 : vector<16xi32>
          %broadcast_in_dim3A_149 = arith.constant 73728 : i32
          %broadcast_in_dim3A_150 = vector.broadcast %broadcast_in_dim3A_149 : i32 to vector<16xi32>
          %lt3A_151 = arith.cmpi slt, %sub3A_146, %broadcast_in_dim3A_150 : vector<16xi32>
          %and3A_152 = arith.andi %ge3A_148, %lt3A_151 : vector<16xi1>
          tpu.vector_store_idx %arg6[%sub3A_146], %get3A_145 masked %and3A_152 : memref<73728xf32, #tpu.memory_space<vmem>>[vector<16xi32>], vector<16xf32>, vector<16xi1>
        }
        %scan3A_136 = arith.constant 512 : i32
      }
      "tpu.region"() ({
        %run_scoped3A = tpu.sem_alloc : memref<!tpu.dma_semaphore, #tpu.memory_space<semaphore_mem>>
        %dma_start3A = tpu.memref_slice %arg5[%multiple_of3A] : memref<56623104xf32, #tpu.memory_space<hbm>> -> memref<73728xf32, #tpu.memory_space<hbm>>
        %dma_start3A_123 = tpu.memref_slice %arg5[%multiple_of3A] : memref<56623104xf32, #tpu.memory_space<hbm>> -> memref<73728xf32, #tpu.memory_space<hbm>>
        tpu.enqueue_dma source(%arg6 : memref<73728xf32, #tpu.memory_space<vmem>>) target(%dma_start3A_123 : memref<73728xf32, #tpu.memory_space<hbm>>) target_semaphore(%run_scoped3A : memref<!tpu.dma_semaphore, #tpu.memory_space<semaphore_mem>>)
        %dma_wait3A = tpu.memref_slice %arg5[%multiple_of3A] : memref<56623104xf32, #tpu.memory_space<hbm>> -> memref<73728xf32, #tpu.memory_space<hbm>>
        %dma_wait3A_124 = tpu.memref_slice %arg5[%multiple_of3A] : memref<56623104xf32, #tpu.memory_space<hbm>> -> memref<73728xf32, #tpu.memory_space<hbm>>
        tpu.wait_dma2 semaphore(%run_scoped3A : memref<!tpu.dma_semaphore, #tpu.memory_space<semaphore_mem>>) src(%arg6 : memref<73728xf32, #tpu.memory_space<vmem>>) dst(%dma_wait3A_124 : memref<73728xf32, #tpu.memory_space<hbm>>)
        tpu.yield
      }) : () -> ()
    }
    %scan3A_5 = arith.constant 24 : i32
    return
  }
}

#map = affine_map<(d0, d1) -> (0)>
#map1 = affine_map<(d0, d1) -> (0, 0)>
module attributes {stable_mosaic.version = 14 : i64} {
  func.func @sc_hist(%arg0: i32, %arg1: i32, %arg2: memref<14155776xi32, #tpu.memory_space<hbm>>, %arg3: memref<32x768xi32, #tpu.memory_space<hbm>>, %arg4: memref<768xi32, #tpu.memory_space<vmem>>, %arg5: memref<8192xi32, #tpu.memory_space<vmem>>) attributes {dimension_semantics = [#tpu.dimension_semantics<core_parallel>, #tpu.dimension_semantics<subcore_parallel>], iteration_bounds = array<i64: 2, 16>, scalar_prefetch = 0 : i64, scratch_operands = 2 : i64, tpu.core_type = #tpu.core_type<sc_vector_subcore>, window_params = [{transform_indices = #map}, {transform_indices = #map1}]} {
    %mul3A = arith.constant 2 : i32
    %mul3A_0 = arith.muli %arg1, %mul3A : i32
    %add3A = arith.addi %mul3A_0, %arg0 : i32
    %broadcast_in_dim3A = arith.constant 0 : i32
    %broadcast_in_dim3A_1 = vector.broadcast %broadcast_in_dim3A : i32 to vector<16xi32>
    %broadcast_in_dim3A_2 = arith.constant 1 : i32
    %broadcast_in_dim3A_3 = vector.broadcast %broadcast_in_dim3A_2 : i32 to vector<16xi32>
    %broadcast_in_dim3A_4 = arith.constant 73728 : i32
    %broadcast_in_dim3A_5 = vector.broadcast %broadcast_in_dim3A_4 : i32 to vector<16xi32>
    %scan3A = arith.constant 0 : i32
    %scan3A_6 = arith.constant 48 : i32
    %scan3A_7 = arith.addi %scan3A, %scan3A_6 : i32
    %scan3A_8 = arith.constant 1 : i32
    scf.for %scan3A_17 = %scan3A to %scan3A_7 step %scan3A_8  : i32 {
      %mul3A_18 = arith.constant 16 : i32
      %mul3A_19 = arith.muli %scan3A_17, %mul3A_18 : i32
      %add3A_20 = arith.constant 0 : i32
      %add3A_21 = arith.addi %add3A_20, %mul3A_19 : i32
      %swap3A = arith.index_cast %add3A_21 : i32 to index
      %swap3A_22 = tpu.vector_load %arg4[%swap3A] {strides = array<i32>} : memref<768xi32, #tpu.memory_space<vmem>>, vector<16xi32>,
      tpu.vector_store %arg4[%swap3A], %broadcast_in_dim3A_1 {strides = array<i32>} : memref<768xi32, #tpu.memory_space<vmem>>, vector<16xi32>,
    }
    %scan3A_9 = arith.constant 48 : i32
    %mul3A_10 = arith.constant 442368 : i32
    %mul3A_11 = arith.muli %add3A, %mul3A_10 : i32
    %multiple_of3A = tpu.assume_multiple %mul3A_11, 8 : i32
    %scan3A_12 = arith.constant 0 : i32
    %scan3A_13 = arith.constant 54 : i32
    %scan3A_14 = arith.addi %scan3A_12, %scan3A_13 : i32
    %scan3A_15 = arith.constant 1 : i32
    scf.for %scan3A_17 = %scan3A_12 to %scan3A_14 step %scan3A_15  : i32 {
      %mul3A_18 = arith.constant 1 : i32
      %mul3A_19 = arith.muli %scan3A_17, %mul3A_18 : i32
      %add3A_20 = arith.constant 0 : i32
      %add3A_21 = arith.addi %add3A_20, %mul3A_19 : i32
      %mul3A_22 = arith.constant 8192 : i32
      %mul3A_23 = arith.muli %add3A_21, %mul3A_22 : i32
      %add3A_24 = arith.addi %multiple_of3A, %mul3A_23 : i32
      %multiple_of3A_25 = tpu.assume_multiple %add3A_24, 8 : i32
      "tpu.region"() ({
        %run_scoped3A = tpu.sem_alloc : memref<!tpu.dma_semaphore, #tpu.memory_space<semaphore_mem>>
        %dma_start3A = tpu.memref_slice %arg2[%multiple_of3A_25] : memref<14155776xi32, #tpu.memory_space<hbm>> -> memref<8192xi32, #tpu.memory_space<hbm>>
        %dma_start3A_31 = tpu.memref_slice %arg2[%multiple_of3A_25] : memref<14155776xi32, #tpu.memory_space<hbm>> -> memref<8192xi32, #tpu.memory_space<hbm>>
        tpu.enqueue_dma source(%dma_start3A_31 : memref<8192xi32, #tpu.memory_space<hbm>>) target(%arg5 : memref<8192xi32, #tpu.memory_space<vmem>>) target_semaphore(%run_scoped3A : memref<!tpu.dma_semaphore, #tpu.memory_space<semaphore_mem>>)
        %dma_wait3A = tpu.memref_slice %arg2[%multiple_of3A_25] : memref<14155776xi32, #tpu.memory_space<hbm>> -> memref<8192xi32, #tpu.memory_space<hbm>>
        %dma_wait3A_32 = tpu.memref_slice %arg2[%multiple_of3A_25] : memref<14155776xi32, #tpu.memory_space<hbm>> -> memref<8192xi32, #tpu.memory_space<hbm>>
        tpu.wait_dma2 semaphore(%run_scoped3A : memref<!tpu.dma_semaphore, #tpu.memory_space<semaphore_mem>>) src(%dma_wait3A_32 : memref<8192xi32, #tpu.memory_space<hbm>>) dst(%arg5 : memref<8192xi32, #tpu.memory_space<vmem>>)
        tpu.yield
      }) : () -> ()
      %scan3A_26 = arith.constant 0 : i32
      %scan3A_27 = arith.constant 512 : i32
      %scan3A_28 = arith.addi %scan3A_26, %scan3A_27 : i32
      %scan3A_29 = arith.constant 1 : i32
      scf.for %scan3A_31 = %scan3A_26 to %scan3A_28 step %scan3A_29  : i32 {
        %mul3A_32 = arith.constant 16 : i32
        %mul3A_33 = arith.muli %scan3A_31, %mul3A_32 : i32
        %add3A_34 = arith.constant 0 : i32
        %add3A_35 = arith.addi %add3A_34, %mul3A_33 : i32
        %get3A = arith.index_cast %add3A_35 : i32 to index
        %get3A_36 = tpu.vector_load %arg5[%get3A] {strides = array<i32>} : memref<8192xi32, #tpu.memory_space<vmem>>, vector<16xi32>,
        %div3A = arith.divsi %get3A_36, %broadcast_in_dim3A_5 : vector<16xi32>
        %sign3A = arith.constant 0 : i32
        %sign3A_37 = vector.broadcast %sign3A : i32 to vector<16xi32>
        %sign3A_38 = arith.cmpi sgt, %get3A_36, %sign3A_37 : vector<16xi32>
        %sign3A_39 = arith.extui %sign3A_38 : vector<16xi1> to vector<16xi32>
        %sign3A_40 = arith.constant 0 : i32
        %sign3A_41 = vector.broadcast %sign3A_40 : i32 to vector<16xi32>
        %sign3A_42 = arith.cmpi slt, %get3A_36, %sign3A_41 : vector<16xi32>
        %sign3A_43 = arith.extui %sign3A_42 : vector<16xi1> to vector<16xi32>
        %sign3A_44 = arith.subi %sign3A_39, %sign3A_43 : vector<16xi32>
        %sign3A_45 = arith.constant 0 : i32
        %sign3A_46 = vector.broadcast %sign3A_45 : i32 to vector<16xi32>
        %sign3A_47 = arith.cmpi sgt, %broadcast_in_dim3A_5, %sign3A_46 : vector<16xi32>
        %sign3A_48 = arith.extui %sign3A_47 : vector<16xi1> to vector<16xi32>
        %sign3A_49 = arith.constant 0 : i32
        %sign3A_50 = vector.broadcast %sign3A_49 : i32 to vector<16xi32>
        %sign3A_51 = arith.cmpi slt, %broadcast_in_dim3A_5, %sign3A_50 : vector<16xi32>
        %sign3A_52 = arith.extui %sign3A_51 : vector<16xi1> to vector<16xi32>
        %sign3A_53 = arith.subi %sign3A_48, %sign3A_52 : vector<16xi32>
        %ne3A = arith.cmpi ne, %sign3A_44, %sign3A_53 : vector<16xi32>
        %rem3A = arith.remsi %get3A_36, %broadcast_in_dim3A_5 : vector<16xi32>
        %ne3A_54 = arith.constant 0 : i32
        %ne3A_55 = vector.broadcast %ne3A_54 : i32 to vector<16xi32>
        %ne3A_56 = arith.cmpi ne, %rem3A, %ne3A_55 : vector<16xi32>
        %and3A = arith.andi %ne3A, %ne3A_56 : vector<16xi1>
        %sub3A = arith.constant 1 : i32
        %sub3A_57 = vector.broadcast %sub3A : i32 to vector<16xi32>
        %sub3A_58 = arith.subi %div3A, %sub3A_57 : vector<16xi32>
        %select_n3A = arith.select %and3A, %sub3A_58, %div3A : vector<16xi1>, vector<16xi32>
        tpu.vector_store_idx %arg4[%select_n3A], %broadcast_in_dim3A_3 {add = true} : memref<768xi32, #tpu.memory_space<vmem>>[vector<16xi32>], vector<16xi32>,
      }
      %scan3A_30 = arith.constant 512 : i32
    }
    %scan3A_16 = arith.constant 54 : i32
    "tpu.region"() ({
      %run_scoped3A = tpu.sem_alloc : memref<!tpu.dma_semaphore, #tpu.memory_space<semaphore_mem>>
      %dma_start3A = arith.constant 0 : i32
      %dma_start3A_17 = tpu.memref_slice %arg3[%add3A, %dma_start3A] : memref<32x768xi32, #tpu.memory_space<hbm>> -> memref<1x768xi32, #tpu.memory_space<hbm>>
      %dma_start3A_18 = tpu.memref_squeeze %dma_start3A_17 : memref<1x768xi32, #tpu.memory_space<hbm>> -> memref<768xi32, #tpu.memory_space<hbm>>
      %dma_start3A_19 = arith.constant 0 : i32
      %dma_start3A_20 = tpu.memref_slice %arg3[%add3A, %dma_start3A_19] : memref<32x768xi32, #tpu.memory_space<hbm>> -> memref<1x768xi32, #tpu.memory_space<hbm>>
      %dma_start3A_21 = tpu.memref_squeeze %dma_start3A_20 : memref<1x768xi32, #tpu.memory_space<hbm>> -> memref<768xi32, #tpu.memory_space<hbm>>
      tpu.enqueue_dma source(%arg4 : memref<768xi32, #tpu.memory_space<vmem>>) target(%dma_start3A_21 : memref<768xi32, #tpu.memory_space<hbm>>) target_semaphore(%run_scoped3A : memref<!tpu.dma_semaphore, #tpu.memory_space<semaphore_mem>>)
      %dma_wait3A = arith.constant 0 : i32
      %dma_wait3A_22 = tpu.memref_slice %arg3[%add3A, %dma_wait3A] : memref<32x768xi32, #tpu.memory_space<hbm>> -> memref<1x768xi32, #tpu.memory_space<hbm>>
      %dma_wait3A_23 = tpu.memref_squeeze %dma_wait3A_22 : memref<1x768xi32, #tpu.memory_space<hbm>> -> memref<768xi32, #tpu.memory_space<hbm>>
      %dma_wait3A_24 = arith.constant 0 : i32
      %dma_wait3A_25 = tpu.memref_slice %arg3[%add3A, %dma_wait3A_24] : memref<32x768xi32, #tpu.memory_space<hbm>> -> memref<1x768xi32, #tpu.memory_space<hbm>>
      %dma_wait3A_26 = tpu.memref_squeeze %dma_wait3A_25 : memref<1x768xi32, #tpu.memory_space<hbm>> -> memref<768xi32, #tpu.memory_space<hbm>>
      tpu.wait_dma2 semaphore(%run_scoped3A : memref<!tpu.dma_semaphore, #tpu.memory_space<semaphore_mem>>) src(%arg4 : memref<768xi32, #tpu.memory_space<vmem>>) dst(%dma_wait3A_26 : memref<768xi32, #tpu.memory_space<hbm>>)
      tpu.yield
    }) : () -> ()
    return
  }
}

</mosaic_0001>

<sc_bundles>
// kernel: kernel.4.cloned.1.call-start
scs
__scs_entry_jumppad:
0x0: {  	(pc) =	sbr.rel $0x88, $3  }
0x1: {  	(tag) =	ssettag $0x0;
	lr =	simm.s32 $0x1  }
0x2: {  	[smem:$0x3F9F] =	sst lr;
	_ =	strace $0xD0000000  }
0x3: {  	_ = 	snop  }
0x4: {  	_ = 	snop  }
0x5: {  	_ = 	snop  }
0x6: {  	_ = 	snop  }
0x7: {  	_ = 	snop  }
__scs_overlays_trampoline_lowered:
0x8: {  	[smem:$0x3FAE] =	sst s0  }
0x9: {  	[smem:$0x3FAF] =	sst s1  }
0xa: {  	[smem:$0x3FB0] =	sst s2  }
0xb: {  	[smem:$0x3FB1] =	sst s3  }
0xc: {  	[smem:$0x3FB2] =	sst s4  }
0xd: {  	[smem:$0x3FB3] =	sst s5  }
0xe: {  	[smem:$0x3FB4] =	sst s6  }
0xf: {  	[smem:$0x3FB5] =	sst s7  }
0x10: {  	[smem:$0x3FB6] =	sst s8  }
0x11: {  	[smem:$0x3FB7] =	sst s9;
	s0 =	simm.s32 @!p0 $0x0  }
0x12: {  	s1 =	sld [smem:$0x3F9D];
	s0 =	simm.s32 @p0 $0x1  }
0x13: {  	[smem:$0x3FB8] =	sst s0;
	s0 =	simm.s32 @!p1 $0x0  }
0x14: {  	s2 =	sld [smem:$0x3F9C];
	s0 =	simm.s32 @p1 $0x1  }
0x15: {  	[smem:$0x3FB9] =	sst s0;
	s0 =	simm.s32 @!p2 $0x0  }
0x16: {  	s3 =	sld [smem:$0x3FDB];
	s0 =	simm.s32 @p2 $0x1  }
0x17: {  	s4 =	simm.s32 $0x1BF5;
	[smem:$0x3FBB] =	sst s0  }
0x18: {  	s0 =	sld [smem:$0x3F9E];
	_ =	swait.ge [sflag:s4], $0x0  }
0x19: {  	s7 =	sld [smem:$0x3F9F]  }
0x1a: {  	s8 =	sadd.s32 $0xFFFFE003, lr  }
0x1b: {  	s9 =	sadd.s32 $0xFFFFFEF7, lr;
	s5 =	simm.s32 $0xFFFFFFFF;
	p2 =	slt.u32 s8, $0xFFFFF086  }
0x1c: {  	p1 =	slt.u32 s9, $0xF7A;
	s5 =	simm.s32 @!p2 $0x0  }
0x1d: {  	s5 =	simm.s32 @p1 $0x1;
	p0 =	seq.s32 s7, s2  }
0x1e: {  	s7 =	smul.u32 @!p0 $0xF7A, s2;
	p2 =	seq.s32 @!p0 s5, $0x0  }
0x1f: {  	s9 =	smul.u32 $0xF7A, s1;
	s8 =	simm.s32 @!p0 $0x1BF5;
	p2 =	por !p2, p0  }
0x20: {  	[sflag:s8] =	ssyncset.s32 @!p0 $0xFFFFF086;
	s6 =	sadd.s32 @!p0 s3, s7;
	s7 =	simm.s32 @!p0 $0x108  }
0x21: {  	s3 =	sadd.s32 s3, s9;
	s6 =	sadd.s32 @!p0 $0x88, s6;
	s7 =	simm.s32 @p2 $0x1082  }
0x22: {  	[simem:s7], [sflag:s8] =	dma.local @!p0 [hbm:s6], $0xF7A  }
0x23: {  	s9 =	sor.u32 $0xD0000000, s2;
	s6 =	simm.s32 $0x108;
	_ =	swait.ge @!p0 [sflag:s8], $0x0  }
0x24: {  	s3 =	sadd.s32 $0x88, s3;
	s6 =	simm.s32 @!p1 $0x1082;
	[sflag:s4] =	ssyncset.s32 $0xFFFFF086  }
0x25: {  	[simem:s6], [sflag:s4] =	dma.local [hbm:s3], $0xF7A  }
0x26: {  	[smem:$0x3F9F] =	sst s1;
	(tag) =	ssettag s2;
	_ =	strace s9  }
0x27: {  	s1 =	sld [smem:$0x3FAF]  }
0x28: {  	s2 =	sld [smem:$0x3FB0]  }
0x29: {  	s4 =	sld [smem:$0x3FB2]  }
0x2a: {  	p0 =	seq.s32 s5, $0x0;
	s5 =	sld [smem:$0x3FB3]  }
0x2b: {  	s6 =	sld [smem:$0x3FB4]  }
0x2c: {  	s7 =	sld [smem:$0x3FB5]  }
0x2d: {  	s3 =	simm.s32 $0x108;
	s8 =	sld [smem:$0x3FB6]  }
0x2e: {  	s3 =	simm.s32 @!p0 $0x1082;
	s9 =	sld [smem:$0x3FB7]  }
0x2f: {  	lr =	sadd.s32 s0, s3;
	s0 =	sld [smem:$0x3FAE]  }
0x30: {  	s3 =	sld [smem:$0x3FB1]  }
0x31: {  	[smem:$0x3FBA] =	sst s10  }
0x32: {  	s10 =	sld [smem:$0x3FB8];
	_ =	sdelay $0x3  }
0x33: {  	p0 =	seq.s32 s10, $0x1;
	s10 =	sld [smem:$0x3FBA];
	_ =	sdelay $0x3  }
0x34: {  	[smem:$0x3FBA] =	sst s10  }
0x35: {  	s10 =	sld [smem:$0x3FB9];
	_ =	sdelay $0x3  }
0x36: {  	p1 =	seq.s32 s10, $0x1;
	s10 =	sld [smem:$0x3FBA];
	_ =	sdelay $0x3  }
0x37: {  	[smem:$0x3FBA] =	sst s10  }
0x38: {  	s10 =	sld [smem:$0x3FBB]  }
0x39: {  	_ = 	snop;
	(pc) =	sbr.ind lr, $3  }
0x3a: {  	_ = 	snop  }
0x3b: {  	_ = 	snop  }
0x3c: {  	p2 =	seq.s32 s10, $0x1;
	s10 =	sld [smem:$0x3FBA]  }
0x3d: {  	_ =	shalt  }
0x3e: {  	_ =	shalt  }
0x3f: {  	_ =	shalt  }
0x40: {  	_ =	shalt  }
0x41: {  	_ =	shalt  }
0x42: {  	_ =	shalt  }
0x43: {  	_ =	shalt  }
0x44: {  	_ =	shalt  }
0x45: {  	_ =	shalt  }
0x46: {  	_ =	shalt  }
0x47: {  	_ =	shalt  }
0x48: {  	_ =	shalt  }
0x49: {  	_ =	shalt  }
0x4a: {  	_ =	shalt  }
0x4b: {  	_ =	shalt  }
0x4c: {  	_ =	shalt  }
0x4d: {  	_ =	shalt  }
0x4e: {  	_ =	shalt  }
0x4f: {  	_ =	shalt  }
0x50: {  	_ =	shalt  }
0x51: {  	_ =	shalt  }
0x52: {  	_ =	shalt  }
0x53: {  	_ =	shalt  }
0x54: {  	_ =	shalt  }
0x55: {  	_ =	shalt  }
0x56: {  	_ =	shalt  }
0x57: {  	_ =	shalt  }
0x58: {  	_ =	shalt  }
0x59: {  	_ =	shalt  }
0x5a: {  	_ =	shalt  }
0x5b: {  	_ =	shalt  }
0x5c: {  	_ =	shalt  }
0x5d: {  	_ =	shalt  }
0x5e: {  	_ =	shalt  }
0x5f: {  	_ =	shalt  }
0x60: {  	_ =	shalt  }
0x61: {  	_ =	shalt  }
0x62: {  	_ =	shalt  }
0x63: {  	_ =	shalt  }
0x64: {  	_ =	shalt  }
0x65: {  	_ =	shalt  }
0x66: {  	_ =	shalt  }
0x67: {  	_ =	shalt  }
0x68: {  	_ =	shalt  }
0x69: {  	_ =	shalt  }
0x6a: {  	_ =	shalt  }
0x6b: {  	_ =	shalt  }
0x6c: {  	_ =	shalt  }
0x6d: {  	_ =	shalt  }
0x6e: {  	_ =	shalt  }
0x6f: {  	_ =	shalt  }
0x70: {  	_ =	shalt  }
0x71: {  	_ =	shalt  }
0x72: {  	_ =	shalt  }
0x73: {  	_ =	shalt  }
0x74: {  	_ =	shalt  }
0x75: {  	_ =	shalt  }
0x76: {  	_ =	shalt  }
0x77: {  	_ =	shalt  }
0x78: {  	_ =	shalt  }
0x79: {  	_ =	shalt  }
0x7a: {  	_ =	shalt  }
0x7b: {  	_ =	shalt  }
0x7c: {  	_ =	shalt  }
0x7d: {  	_ =	shalt  }
0x7e: {  	_ =	shalt  }
0x7f: {  	_ =	shalt  }
0x80: {  	_ =	shalt  }
0x81: {  	_ =	shalt  }
0x82: {  	_ =	shalt  }
0x83: {  	_ =	shalt  }
0x84: {  	_ =	shalt  }
0x85: {  	_ =	shalt  }
0x86: {  	_ =	shalt  }
0x87: {  	_ =	shalt  }
.Lfunc_end0:
.L_simem_size_0:
called_computation.1_lowered:
.L_overlay_start_0:
0x88: {  	s2 =	sld [smem:$0x3FD9]  }
0x89: {  	s3 =	sld [smem:$0x3FFE];
	_ =	sdelay $0x1  }
0x8a: {  	s1 =	srdreg.scid  }
0x8b: {  	s0 =	sand.u32 $0x1, s1  }
0x8c: {  	s17 =	sshll.u32 s0, $0xA;
	s2 =	sadd.s32 s3, s2  }
0x8d: {  	s2 =	sadd.s32 s2, s17  }
0x8e: {  	[smem:$0x3FC6] =	sst s2  }
0x8f: {  	_ = 	snop  }
0x90: {  	s2 =	sld [smem:$0x3FD0];
	(tm) =	ssettm $0x1  }
0x91: {  	s18 =	sld [smem:$0x3FFB];
	_ =	sdelay $0x3  }
0x92: {  	_ =	strace s18  }
0x93: {  	s3 =	sld [smem:$0x3FFC];
	_ =	sdelay $0x3  }
0x94: {  	_ =	strace s3  }
0x95: {  	s3 =	sld [smem:$0x3FFD];
	_ =	sdelay $0x3  }
0x96: {  	_ =	strace s3  }
0x97: {  	_ =	strace $0x8FFFFFFF  }
0x98: {  	s19 =	sld [smem:$0x3FDB];
	_ =	sdelay $0x1  }
0x99: {  	s4 =	simm.s32 $_scs_section_size  }
0x9a: {  	s5 =	simm.s32 $_size__tile_overlayer_lowered;
	s6 =	simm.s32 $_tile_overlayer_lowered  }
0x9b: {  	s22 =	simm.s32 $0x1BFF;
	s21 =	sshll.u32 s6, $0x1;
	s3 =	sadd.s32 s4, s19  }
0x9c: {  	s7 =	simm.s32 $0x0;
	s20 =	sshll.u32 s5, $0x1;
	s5 =	sadd.s32 s21, s3  }
0x9d: {  	[timem:s7], [sflag:s22] =	dma.local [hbm:s5], s20  }
0x9e: {  	_ =	swait.ge [sflag:s22], s20  }
0x9f: {  	s4 =	ssub.s32 $0x0, s20;
	[sflag:s22] =	ssyncset.done $0x0  }
0xa0: {  	[sflag:s22] =	ssyncadd.s32 s4;
	_ =	sdelay $0x1  }
0xa1: {  	s23 =	simm.s32 $0x1B8B  }
0xa2: {  	_ =	swait.ge [sflag:s23], $0x1  }
0xa3: {  	[sflag:s23] =	ssyncset.done $0x0  }
0xa4: {  	s25 =	simm.s32 $0x1B8E;
	s24 =	sld [smem:$0x3FFE];
	[sflag:s23] =	ssyncadd.s32 $0xFFFFFFFF  }
0xa5: {  	s26 =	simm.s32 $execute0_lowered;
	[smem:$0x3FD2] =	sst s25  }
0xa6: {  	s5 =	sshll.u32 s26, $0x1;
	_ =	strace $0x80000049;
	[dreg:$0x1] =	wrdreg $0xFFFFFFFF  }
0xa7: {  	s28 =	simm.s32 $_size_execute0_lowered;
	s3 =	sadd.s32 s3, s5;
	[dreg:$0x0] =	wrdreg $0x0  }
0xa8: {  	s5 =	sshll.u32 s28, $0x1;
	[dreg:$0x2] =	wrdreg s3  }
0xa9: {  	[dreg:$0x3] =	wrdreg s5  }
0xaa: {  	[dreg:$0x4] =	wrdreg $0xC0  }
0xab: {  	_ =	task [dreg:s7], $0x5FFFF  }
0xac: {  	[dreg:$0x1] =	wrdreg $0xFFFFFFFF  }
0xad: {  	[dreg:$0x0] =	wrdreg $0x60  }
0xae: {  	[dreg:$0x2] =	wrdreg s2  }
0xaf: {  	[dreg:$0x3] =	wrdreg s24  }
0xb0: {  	[dreg:$0x4] =	wrdreg $0x9  }
0xb1: {  	_ =	task.clear_ibuf [dreg:s7], $0x5FFFF;
	_ =	strace $0x90000049  }
0xb2: {  	s29 =	simm.s32 $0x9;
	_ =	strace $0x8000004B  }
0xb3: {  	_ =	swait.ge [sflag:s29], $0x1  }
0xb4: {  	[sflag:s29] =	ssyncadd.s32 $0xFFFFFFFF  }
0xb5: {  	_ =	strace $0x9000004B  }
0xb6: {  	_ =	sfence  }
0xb7: {  	s30 =	sld [smem:$0x0];
	_ =	sdelay $0x2  }
0xb8: {  	s31 =	sshll.u32 s1, $0xD;
	s1 =	sshrl.u32 s1, $0x2  }
0xb9: {  	s3 =	sand.u32 $0x4000, s31;
	s1 =	sadd.s32 s1, s30  }
0xba: {  	s0 =	sor.u32 s3, s0;
	s1 =	sshll.u32 s1, $0x11  }
0xbb: {  	s0 =	sor.u32 s1, s0  }
0xbc: {  	s0 =	sadd.s32 $0x8F2B, s0  }
0xbd: {  	[sflag:s0] =	ssyncadd.remote.s32 $0x1  }
0xbe: {  	_ =	sfence.sel $0xFFFF  }
0xbf: {  	[dreg:$0x0] =	wrdreg $0xFFFFFFFF;
	(pc) =	sbr.abs _section_cstart, $3  }
0xc0: {  	[dreg:$0x1] =	wrdreg $0xFFFFFFFF  }
0xc1: {  	_ =	task.clear_ibuf [dreg:s7], $0x2FFFF;
	_ =	strace $0x9FFFFFFF  }
0xc2: {  	(tm) =	ssettm $0x7FFFFFFF  }
0xc3: {  	_ =	shalt  }
tec
execute0_lowered:
.L_overlay_start_1:
0x0: {  	(tag) =	ssettag $0x1  }
0x1: {  	s1 =	srdreg.scid  }
0x2: {  	s0 =	stileid.u32;
	s6 =	rddreg [dreg:$0x1]  }
0x3: {  	s3 =	simm.s32 $0x0;
	s4 =	sand.u32 $0x1, s1;
	s2 =	sshll.u32 s0, $0x1  }
0x4: {  	v0 =	vimm.s32 $0xECA86420;
	vm0 =	vcmask $0xB08;
	vm1 =	vcmask $0x1310;
	s26 =	sshrl.u32 s0, $0x2;
	[smem:$0x7FF] =	sst s3;
	s5 =	sor.u32 s4, s2  }
0x5: {  	vm2 =	vcmask $0x1B18;
	vm15 =	vcmask $0x300;
	vm4 =	vcmask $0x2320;
	s7 =	smul.u32 $0x1800, s26;
	s4 =	ssub.s32 $0x2, s4;
	s8 =	sshll.u32 s5, $0x7  }
0x6: {  	vm5 =	vcmask $0x2B28;
	v2 =	vlaneseq.u32;
	vm6 =	vcmask $0x3330;
	s28 =	sshrl.u32 s4, $0x1;
	s29 =	smul.u32 $0x6C000, s5;
	s8 =	sand.u32 $0x380, s8  }
0x7: {  	vm7 =	vcmask $0x3B38;
	vm8 =	vmmov $0xff;
	vm11 =	vcmask $0x704;
	_ =	strace $0x8000004A;
	s7 =	sor.u32 s7, s8;
	s8 =	ssub.s32 s4, s28  }
0x8: {  	vm12 =	vcmask $0xF0C;
	vm9 =	vcmask $0x1714;
	v1 =	vunpack.c.l.s4.s8 v0;
	[dreg:$0x3] =	wrdreg s29;
	s7 =	sshrl.u32 s7, $0x3;
	s31 =	smax.u32 s8, $0x1  }
0x9: {  	vm10 =	vcmask $0x1F1C;
	vm3 =	vcmask $0x2F2C;
	v3 =	vimm.s32 $0x1;
	s30 =	sadd.s32 s6, s7;
	[dreg:$0x5] =	wrdreg s31  }
0xa: {  	v0 =	vimm.s32 $0x0;
	v2 =	vmul.u32 $0x2, v2;
	s2 =	simm.s32 $0x0;
	v1 =	vunpack.c.0.s8.s32 v1;
	[dreg:$0x4] =	wrdreg s30  }
.LBB2_1:
0xb: {  	[tilespmem:$0x0] =	vst v0  }
0xc: {  	[tilespmem:$0x10] =	vst v0  }
0xd: {  	[tilespmem:$0x20] =	vst v0  }
0xe: {  	[tilespmem:$0x30] =	vst v0  }
0xf: {  	[tilespmem:$0x40] =	vst v0  }
0x10: {  	[tilespmem:$0x50] =	vst v0  }
0x11: {  	[tilespmem:$0x60] =	vst v0  }
0x12: {  	[tilespmem:$0x70] =	vst v0  }
0x13: {  	[tilespmem:$0x80] =	vst v0  }
0x14: {  	[tilespmem:$0x90] =	vst v0  }
0x15: {  	[tilespmem:$0xA0] =	vst v0  }
0x16: {  	[tilespmem:$0xB0] =	vst v0  }
0x17: {  	[tilespmem:$0xC0] =	vst v0  }
0x18: {  	[tilespmem:$0xD0] =	vst v0  }
0x19: {  	[tilespmem:$0xE0] =	vst v0  }
0x1a: {  	[tilespmem:$0xF0] =	vst v0  }
0x1b: {  	[tilespmem:$0x100] =	vst v0  }
0x1c: {  	[tilespmem:$0x110] =	vst v0  }
0x1d: {  	[tilespmem:$0x120] =	vst v0  }
0x1e: {  	[tilespmem:$0x130] =	vst v0  }
0x1f: {  	[tilespmem:$0x140] =	vst v0  }
0x20: {  	[tilespmem:$0x150] =	vst v0  }
0x21: {  	[tilespmem:$0x160] =	vst v0  }
0x22: {  	[tilespmem:$0x170] =	vst v0  }
0x23: {  	[tilespmem:$0x180] =	vst v0  }
0x24: {  	[tilespmem:$0x190] =	vst v0  }
0x25: {  	[tilespmem:$0x1A0] =	vst v0  }
0x26: {  	[tilespmem:$0x1B0] =	vst v0  }
0x27: {  	[tilespmem:$0x1C0] =	vst v0  }
0x28: {  	[tilespmem:$0x1D0] =	vst v0  }
0x29: {  	[tilespmem:$0x1E0] =	vst v0  }
0x2a: {  	[tilespmem:$0x1F0] =	vst v0  }
0x2b: {  	[tilespmem:$0x200] =	vst v0  }
0x2c: {  	[tilespmem:$0x210] =	vst v0  }
0x2d: {  	[tilespmem:$0x220] =	vst v0  }
0x2e: {  	[tilespmem:$0x230] =	vst v0  }
0x2f: {  	[tilespmem:$0x240] =	vst v0  }
0x30: {  	[tilespmem:$0x250] =	vst v0  }
0x31: {  	[tilespmem:$0x260] =	vst v0  }
0x32: {  	[tilespmem:$0x270] =	vst v0  }
0x33: {  	[tilespmem:$0x280] =	vst v0  }
0x34: {  	[tilespmem:$0x290] =	vst v0  }
0x35: {  	[tilespmem:$0x2A0] =	vst v0  }
0x36: {  	[tilespmem:$0x2B0] =	vst v0  }
0x37: {  	[tilespmem:$0x2C0] =	vst v0  }
0x38: {  	[tilespmem:$0x2D0] =	vst v0  }
0x39: {  	[tilespmem:$0x2E0] =	vst v0  }
0x3a: {  	[dreg:$0x6] =	wrdreg s2;
	[tilespmem:$0x2F0] =	vst v0;
	s12 =	simm.s32 $0x0  }
.LBB2_2:
0x3b: {  	s13 =	sshll.u32 s12, $0xD;
	s0 =	rddreg [dreg:$0x3]  }
0x3c: {  	s13 =	sadd.s32 s0, s13  }
0x3d: {  	s6 =	rddreg [dreg:$0x0];
	s14 =	simm.s32 $0x0;
	s13 =	sshrl.u32 s13, $0x3  }
0x3e: {  	s7 =	simm.s32 $0x300;
	s8 =	simm.s32 $0x1;
	s13 =	sadd.s32 s6, s13  }
0x3f: {  	[tilespmem:s7], [sflag:$0x1] =	stream.linear.gather [hbm4b:s13+s14], $0x2000, $0x38;
	[tilespmem:$0x2300] =	vst v63  }
0x40: {  	_ =	swait.ge [sflag:s8], $0x2000  }
0x41: {  	[sflag:s8] =	ssyncset.done $0x0  }
0x42: {  	s9 =	simm.s32 $0x0;
	[sflag:s8] =	ssyncadd.s32 $0xFFFFE000  }
0x43: {  	v4 =	vld [tilespmem:s9+$0x300];
	_ =	sdelay $0x4  }
0x44: {  	(v2sf) =	vpush v4, $0x1;
	_ =	sdelay $0x1  }
0x45: {  	(v2sf) =	vpush v4, $0x0  }
0x46: {  	(v2sf) =	vpush v4, $0x2;
	_ =	sdelay $0x1  }
0x47: {  	(v2sf) =	vpush v4, $0x7;
	_ =	sdelay $0x2  }
0x48: {  	(v2sf) =	vpush v4, $0x3;
	_ =	sdelay $0x1  }
0x49: {  	(v2sf) =	vpush v4, $0x4;
	_ =	sdelay $0x1  }
0x4a: {  	(v2sf) =	vpush v4, $0xC  }
0x4b: {  	(v2sf) =	vpush v4, $0xD;
	_ =	sdelay $0x1  }
0x4c: {  	s10 =	spop (v2sf)  }
0x4d: {  	(v2sf) =	vpush v4, $0xE;
	s15 =	smulhi.u32 $0x38E38E39, s10;
	s13 =	sshra.s32 s10, $0x1F  }
0x4e: {  	s11 =	spop (v2sf);
	s21 =	smul.u32 $0x38E38E39, s13  }
0x4f: {  	s16 =	spop (v2sf);
	s25 =	smulhi.u32 $0x38E38E39, s11  }
0x50: {  	(v2sf) =	vpush v4, $0x8;
	s2 =	sshra.s32 s11, $0x1F;
	s17 =	smulhi.u32 $0x38E38E39, s16  }
0x51: {  	(v2sf) =	vpush v4, $0xF;
	s18 =	spop (v2sf);
	s2 =	smul.u32 $0x38E38E39, s2  }
0x52: {  	(v2sf) =	vpush v4, $0x9;
	s16 =	sshra.s32 s16, $0x1F;
	s19 =	smulhi.u32 $0x38E38E39, s18  }
0x53: {  	s18 =	sshra.s32 s18, $0x1F;
	s16 =	smul.u32 $0x38E38E39, s16  }
0x54: {  	s13 =	simm.s32 $0x40;
	s20 =	spop (v2sf);
	s18 =	smul.u32 $0x38E38E39, s18  }
0x55: {  	s9 =	sadd.s32 s21, s15;
	s28 =	smulhi.u32 $0x38E38E39, s20;
	s20 =	sshra.s32 s20, $0x1F  }
0x56: {  	(v2sf) =	vpush v4, $0xA;
	s22 =	spop (v2sf);
	s21 =	sshra.s32 s9, $0xE;
	s20 =	smul.u32 $0x38E38E39, s20  }
0x57: {  	s2 =	sadd.s32 s2, s25;
	s0 =	sshra.s32 s22, $0x1F;
	s22 =	smulhi.u32 $0x38E38E39, s22  }
0x58: {  	s24 =	spop (v2sf);
	s1 =	sadd.s32 s16, s17;
	s23 =	smul.u32 $0x38E38E39, s0  }
0x59: {  	(v2sf) =	vpush v4, $0x5;
	s26 =	spop (v2sf);
	s29 =	sshra.s32 s24, $0x1F;
	s4 =	smulhi.u32 $0x38E38E39, s24  }
0x5a: {  	(v2sf) =	vpush v4, $0xB;
	s14 =	sadd.s32 s18, s19;
	s19 =	sshra.s32 s1, $0xE;
	s30 =	smulhi.u32 $0x38E38E39, s26  }
0x5b: {  	s15 =	sshra.s32 s1, $0x1F;
	s29 =	smul.u32 $0x38E38E39, s29;
	s18 =	sshra.s32 s26, $0x1F  }
0x5c: {  	s31 =	spop (v2sf);
	s26 =	sshrl.u32 s1, $0x1F;
	s17 =	smul.u32 $0x38E38E39, s18  }
0x5d: {  	s0 =	smulhi.u32 $0x38E38E39, s31;
	s31 =	sshra.s32 s31, $0x1F;
	s16 =	sadd.s32 s29, s4  }
0x5e: {  	s31 =	smul.u32 $0x38E38E39, s31;
	s29 =	sadd.s32 s17, s30;
	s30 =	sshrl.u32 s16, $0x1F  }
0x5f: {  	s4 =	sshra.s32 s16, $0xE;
	s16 =	sadd.s32 s20, s28;
	s8 =	spop (v2sf)  }
0x60: {  	s20 =	sshrl.u32 s9, $0x1F;
	s9 =	sshra.s32 s9, $0x1F;
	s11 =	spop (v2sf)  }
0x61: {  	s28 =	sshra.s32 s29, $0xE;
	s10 =	spop (v2sf);
	s5 =	smulhi.u32 $0x38E38E39, s11  }
0x62: {  	s24 =	sshra.s32 s11, $0x1F;
	s11 =	sshra.s32 s8, $0x1F;
	s8 =	smulhi.u32 $0x38E38E39, s8  }
0x63: {  	s25 =	sshrl.u32 s16, $0x1F;
	s0 =	sadd.s32 s31, s0;
	(v2sf) =	vpush v4, $0x6;
	s6 =	smulhi.u32 $0x38E38E39, s10  }
0x64: {  	s17 =	sshra.s32 s16, $0xE;
	s31 =	sadd.s32 s23, s22;
	s7 =	smul.u32 $0x38E38E39, s24  }
0x65: {  	s23 =	sshrl.u32 s2, $0x1F;
	s1 =	spop (v2sf);
	s11 =	smul.u32 $0x38E38E39, s11  }
0x66: {  	s29 =	sshrl.u32 s29, $0x1F;
	v5 =	vmov s23;
	s10 =	sshra.s32 s10, $0x1F;
	s24 =	smulhi.u32 $0x38E38E39, s1  }
0x67: {  	s16 =	sshra.s32 s16, $0x1F;
	v5 =	vnsel vm15, $0x0, v5;
	s10 =	smul.u32 $0x38E38E39, s10;
	s1 =	sshra.s32 s1, $0x1F  }
0x68: {  	v5 =	vsel vm0, s20, v5;
	s20 =	sshra.s32 s31, $0xE;
	s18 =	spop (v2sf);
	s1 =	smul.u32 $0x38E38E39, s1  }
0x69: {  	s6 =	sadd.s32 s10, s6;
	s10 =	sadd.s32 s11, s8;
	s8 =	spop (v2sf)  }
0x6a: {  	s22 =	sshra.s32 s8, $0x1F;
	s11 =	smulhi.u32 $0x38E38E39, s8;
	s8 =	sshra.s32 s14, $0x1F  }
0x6b: {  	v6 =	vmov s30;
	v7 =	vmov s4;
	s30 =	sshrl.u32 s6, $0x1F;
	s23 =	sshra.s32 s6, $0xE;
	s6 =	sshra.s32 s2, $0xE;
	v8 =	vmov s8  }
0x6c: {  	v6 =	vsel vm0, s29, v6;
	v5 =	vsel vm1, s26, v5;
	s29 =	sshra.s32 s18, $0x1F;
	s8 =	sshra.s32 s2, $0x1F;
	s26 =	smul.u32 $0x38E38E39, s22;
	v8 =	vsel vm15, s6, v8  }
0x6d: {  	v7 =	vsel vm0, s28, v7;
	s24 =	sadd.s32 s1, s24;
	s22 =	sadd.s32 s7, s5;
	s6 =	sshra.s32 s0, $0xE;
	v8 =	vsel vm11, s8, v8  }
0x6e: {  	v9 =	vsel vm2, s25, v5;
	s0 =	sshrl.u32 s0, $0x1F;
	s8 =	sshrl.u32 s10, $0x1F;
	v5 =	vsel vm1, s6, v7;
	s25 =	sadd.s32 s26, s11;
	v8 =	vsel vm0, s21, v8  }
0x6f: {  	v7 =	vsel vm1, s0, v6;
	s26 =	sshrl.u32 s24, $0x1F;
	v10 =	vmov s8;
	s21 =	sshra.s32 s31, $0x1F;
	s31 =	sshrl.u32 s31, $0x1F;
	v11 =	vsel vm12, s9, v8  }
0x70: {  	s28 =	sshrl.u32 s25, $0x1F;
	s25 =	sshra.s32 s25, $0xE;
	v8 =	vsel vm0, s30, v10;
	s30 =	sshra.s32 s10, $0xE;
	v6 =	vsel vm4, s31, v9;
	v9 =	vsel vm1, s19, v11  }
.LBB2_3:
0x71: {  	p0 =	sne.s32 s13, $0x7FC0  }
0x72: {  	s0 =	smulhi.u32 $0x38E38E39, s18;
	v10 =	vmov s30;
	s1 =	spop (v2sf);
	s18 =	smov.u32 s13;
	v8 =	vsel vm1, s26, v8  }
0x73: {  	s2 =	sshrl.u32 s22, $0x1F;
	v9 =	vsel vm9, s15, v9;
	vm13 =	vcmask $0x2724;
	s4 =	smulhi.u32 $0x38E38E39, s1;
	s1 =	sshra.s32 s1, $0x1F;
	v10 =	vsel vm0, s23, v10  }
0x74: {  	s13 =	sadd.s32 $0x40, s13;
	s5 =	sshra.s32 s24, $0xE;
	v7 =	vsel vm2, s2, v7;
	v8 =	vsel vm2, s28, v8;
	s2 =	smul.u32 $0x38E38E39, s29;
	v9 =	vsel vm2, s17, v9  }
0x75: {  	s6 =	sshra.s32 s22, $0xE;
	v7 =	vcombine.low v8, v7;
	s1 =	smul.u32 $0x38E38E39, s1;
	v8 =	vsel vm1, s5, v10;
	v9 =	vsel vm10, s16, v9  }
0x76: {  	v5 =	vsel vm2, s6, v5;
	s0 =	sadd.s32 s2, s0;
	v8 =	vsel vm2, s25, v8;
	v9 =	vsel vm4, s20, v9  }
0x77: {  	s1 =	sadd.s32 s1, s4;
	v5 =	vcombine.low v8, v5;
	v8 =	vsel vm13, s21, v9;
	s2 =	sshra.s32 s0, $0xE  }
0x78: {  	v8 =	vsel vm5, s2, v8;
	s2 =	sshra.s32 s0, $0x1F  }
0x79: {  	s0 =	sshrl.u32 s0, $0x1F;
	v8 =	vsel vm3, s2, v8;
	s2 =	sshra.s32 s1, $0xE  }
0x7a: {  	vm13 =	vcmask $0x3734;
	v6 =	vsel vm5, s0, v6;
	s0 =	sshrl.u32 s1, $0x1F;
	s1 =	sshra.s32 s1, $0x1F;
	v8 =	vsel vm6, s2, v8  }
0x7b: {  	v7 =	vperm.xlane v7, v1;
	v6 =	vsel vm6, s0, v6;
	s0 =	sshrl.u32 s14, $0x1F;
	v8 =	vsel vm13, s1, v8;
	s1 =	sshra.s32 s14, $0xE  }
0x7c: {  	v5 =	vperm.xlane v5, v1;
	v6 =	vsel vm7, s0, v6;
	v8 =	vsel vm7, s1, v8  }
0x7d: {  	v6 =	vperm.xlane v6, v2;
	v8 =	vperm.xlane v8, v2;
	_ =	sdelay $0x1  }
0x7e: {  	v6 =	vsel vm8, v6, v7;
	v5 =	vsel vm8, v8, v5  }
0x7f: {  	v5 =	vadd.s32 v6, v5  }
0x80: {  	v6 =	vmul.u32 $0xFFFEE000, v5  }
0x81: {  	vm14 =	vmmov vm10;
	v7 =	vsub.s32 $0x0, v4  }
0x82: {  	vm13 =	vmmov vm9;
	vm9 =	vlt.s32 v4, $0x1;
	vm10 =	vne.s32 v6, v7  }
0x83: {  	vm9 =	vmand vm9, vm10;
	vm10 =	vmmov vm14  }
0x84: {  	v4 =	vsel vm9, $0xFFFFFFFF, v0;
	vm9 =	vmmov vm13  }
0x85: {  	v4 =	vadd.s32 v4, v5;
	_ =	sdelay $0x3  }
0x86: {  	s0 =	sshra.s32 s18, $0x2  }
0x87: {  	[tilespmem:v4+s3+$0x0] =	vst.idx.add.s32.msk $0xffff, v3  }
0x88: {  	v4 =	vld [tilespmem:s0+$0x300];
	_ =	sdelay $0x4  }
0x89: {  	(v2sf) =	vpush v4, $0x1  }
0x8a: {  	(v2sf) =	vpush v4, $0x0  }
0x8b: {  	(v2sf) =	vpush v4, $0x2  }
0x8c: {  	(v2sf) =	vpush v4, $0x7  }
0x8d: {  	(v2sf) =	vpush v4, $0x3  }
0x8e: {  	(v2sf) =	vpush v4, $0x4;
	_ =	sdelay $0x1  }
0x8f: {  	(v2sf) =	vpush v4, $0xC  }
0x90: {  	(v2sf) =	vpush v4, $0xD;
	_ =	sdelay $0x1  }
0x91: {  	(v2sf) =	vpush v4, $0xE;
	_ =	sdelay $0x2  }
0x92: {  	(v2sf) =	vpush v4, $0x8  }
0x93: {  	(v2sf) =	vpush v4, $0xF  }
0x94: {  	(v2sf) =	vpush v4, $0x9;
	s0 =	spop (v2sf)  }
0x95: {  	s1 =	spop (v2sf);
	s2 =	smulhi.u32 $0x38E38E39, s0;
	s0 =	sshra.s32 s0, $0x1F  }
0x96: {  	(v2sf) =	vpush v4, $0xA;
	s4 =	spop (v2sf);
	s0 =	smul.u32 $0x38E38E39, s0  }
0x97: {  	s5 =	smulhi.u32 $0x38E38E39, s4;
	s4 =	sshra.s32 s4, $0x1F;
	s6 =	spop (v2sf)  }
0x98: {  	s7 =	smulhi.u32 $0x38E38E39, s6;
	s6 =	sshra.s32 s6, $0x1F;
	s9 =	spop (v2sf)  }
0x99: {  	s10 =	sshra.s32 s9, $0x1F;
	s6 =	smul.u32 $0x38E38E39, s6;
	s11 =	spop (v2sf);
	(v2sf) =	vpush v4, $0x5  }
0x9a: {  	s21 =	sshra.s32 s1, $0x1F;
	s26 =	smulhi.u32 $0x38E38E39, s1;
	s15 =	sshra.s32 s11, $0x1F  }
0x9b: {  	s4 =	smul.u32 $0x38E38E39, s4;
	s14 =	sadd.s32 s6, s7;
	s6 =	spop (v2sf)  }
0x9c: {  	s23 =	sadd.s32 s0, s2;
	s20 =	smul.u32 $0x38E38E39, s15;
	s0 =	spop (v2sf);
	(v2sf) =	vpush v4, $0xB  }
0x9d: {  	s22 =	sshra.s32 s23, $0xE;
	s1 =	sadd.s32 s4, s5;
	s2 =	sshra.s32 s6, $0x1F  }
0x9e: {  	s5 =	smulhi.u32 $0x38E38E39, s9;
	s4 =	sshra.s32 s0, $0x1F;
	s7 =	spop (v2sf)  }
0x9f: {  	s8 =	sshra.s32 s23, $0x1F;
	s19 =	sshra.s32 s1, $0xE;
	s0 =	smulhi.u32 $0x38E38E39, s0  }
0xa0: {  	s24 =	sshrl.u32 s1, $0x1F;
	s15 =	sshra.s32 s1, $0x1F;
	s2 =	smul.u32 $0x38E38E39, s2  }
0xa1: {  	s1 =	smulhi.u32 $0x38E38E39, s7;
	s7 =	sshra.s32 s7, $0x1F;
	s9 =	spop (v2sf)  }
0xa2: {  	s6 =	smulhi.u32 $0x38E38E39, s6;
	s29 =	sshra.s32 s9, $0x1F;
	s16 =	spop (v2sf)  }
0xa3: {  	s10 =	smul.u32 $0x38E38E39, s10;
	s17 =	sshra.s32 s16, $0x1F;
	s18 =	spop (v2sf)  }
0xa4: {  	s4 =	smul.u32 $0x38E38E39, s4;
	s2 =	sadd.s32 s2, s6;
	s6 =	sshra.s32 s18, $0x1F  }
0xa5: {  	s11 =	smulhi.u32 $0x38E38E39, s11;
	s25 =	sshrl.u32 s2, $0x1F;
	s30 =	spop (v2sf)  }
0xa6: {  	s0 =	sadd.s32 s4, s0;
	s2 =	sshra.s32 s2, $0xE;
	v5 =	vmov s25;
	s25 =	smulhi.u32 $0x38E38E39, s16  }
0xa7: {  	v6 =	vmov s2;
	s2 =	sshra.s32 s14, $0x1F;
	s16 =	sshra.s32 s0, $0xE;
	s4 =	smulhi.u32 $0x38E38E39, s18  }
0xa8: {  	s5 =	sadd.s32 s10, s5;
	v7 =	vmov s2;
	s28 =	smul.u32 $0x38E38E39, s17;
	v6 =	vsel vm0, s16, v6;
	s18 =	spop (v2sf);
	(v2sf) =	vpush v4, $0x6  }
0xa9: {  	s10 =	sshrl.u32 s5, $0x1F;
	s17 =	sshra.s32 s5, $0xE;
	s2 =	smulhi.u32 $0x38E38E39, s30  }
0xaa: {  	s0 =	sshrl.u32 s0, $0x1F;
	s16 =	sshra.s32 s5, $0x1F;
	s6 =	smul.u32 $0x38E38E39, s6  }
0xab: {  	v8 =	vsel vm0, s0, v5;
	s0 =	smul.u32 $0x38E38E39, s21;
	s5 =	sshrl.u32 s23, $0x1F;
	s21 =	spop (v2sf)  }
0xac: {  	s11 =	sadd.s32 s20, s11;
	s9 =	smulhi.u32 $0x38E38E39, s9;
	s31 =	sshra.s32 s21, $0x1F  }
0xad: {  	s7 =	smul.u32 $0x38E38E39, s7;
	s0 =	sadd.s32 s0, s26;
	s4 =	sadd.s32 s6, s4  }
0xae: {  	s6 =	sshra.s32 s30, $0x1F;
	s30 =	smulhi.u32 $0x38E38E39, s21;
	s21 =	sshrl.u32 s0, $0x1F  }
0xaf: {  	s1 =	sadd.s32 s7, s1;
	s26 =	smul.u32 $0x38E38E39, s29;
	s7 =	sshrl.u32 s4, $0x1F;
	v5 =	vmov s21  }
0xb0: {  	s20 =	sshra.s32 s11, $0xE;
	s23 =	sshra.s32 s4, $0xE;
	s4 =	smul.u32 $0x38E38E39, s6;
	v5 =	vnsel vm15, $0x0, v5  }
0xb1: {  	s6 =	sshrl.u32 s1, $0x1F;
	s21 =	sshra.s32 s11, $0x1F;
	v5 =	vsel vm0, s5, v5;
	s5 =	sshra.s32 s0, $0xE  }
.Ltmp0:
0xb2: {  	s1 =	sshra.s32 s1, $0xE;
	s0 =	sshra.s32 s0, $0x1F;
	v5 =	vsel vm1, s24, v5;
	v7 =	vsel vm15, s5, v7;
	(pc) =	sbr.rel @p0 .LBB2_3-.Ltmp0, $4  }
0xb3: {  	s5 =	sadd.s32 s26, s9;
	s24 =	sadd.s32 s4, s2;
	s2 =	smul.u32 $0x38E38E39, s31;
	v9 =	vsel vm2, s10, v5;
	v5 =	vsel vm1, s1, v6;
	v6 =	vsel vm11, s0, v7  }
0xb4: {  	v7 =	vsel vm1, s6, v8;
	s0 =	sshrl.u32 s5, $0x1F;
	s26 =	sshrl.u32 s24, $0x1F;
	s1 =	sshrl.u32 s11, $0x1F;
	v6 =	vsel vm0, s22, v6  }
0xb5: {  	s22 =	sadd.s32 s28, s25;
	v8 =	vmov s0;
	s0 =	sadd.s32 s2, s30;
	s30 =	sshra.s32 s5, $0xE;
	v10 =	vsel vm12, s8, v6  }
0xb6: {  	s29 =	sshra.s32 s18, $0x1F;
	v8 =	vsel vm0, s7, v8;
	s28 =	sshrl.u32 s0, $0x1F;
	v6 =	vsel vm4, s1, v9;
	s25 =	sshra.s32 s0, $0xE;
	v9 =	vsel vm1, s19, v10  }
0xb7: {  	s0 =	smulhi.u32 $0x38E38E39, s18;
	v9 =	vsel vm9, s15, v9  }
0xb8: {  	s1 =	spop (v2sf);
	s2 =	smul.u32 $0x38E38E39, s29;
	v10 =	vmov s30;
	s5 =	sshrl.u32 s22, $0x1F;
	v8 =	vsel vm1, s26, v8;
	v9 =	vsel vm2, s17, v9  }
0xb9: {  	vm9 =	vcmask $0x2724;
	s6 =	sshra.s32 s22, $0xE;
	s4 =	smulhi.u32 $0x38E38E39, s1;
	s1 =	sshra.s32 s1, $0x1F;
	v10 =	vsel vm0, s23, v10;
	v9 =	vsel vm10, s16, v9  }
0xba: {  	v7 =	vsel vm2, s5, v7;
	v8 =	vsel vm2, s28, v8;
	s23 =	sshra.s32 s24, $0xE;
	s1 =	smul.u32 $0x38E38E39, s1;
	s0 =	sadd.s32 s2, s0;
	v9 =	vsel vm4, s20, v9  }
0xbb: {  	v5 =	vsel vm2, s6, v5;
	v61 =	vsel vm1, s23, v10;
	s24 =	sshra.s32 s0, $0xE;
	v9 =	vsel vm9, s21, v9  }
0xbc: {  	v7 =	vcombine.low v8, v7;
	s26 =	sshra.s32 s0, $0x1F;
	v8 =	vsel vm2, s25, v61;
	s1 =	sadd.s32 s1, s4;
	v9 =	vsel vm5, s24, v9  }
0xbd: {  	s0 =	sshrl.u32 s0, $0x1F;
	v5 =	vcombine.low v8, v5;
	s28 =	sshra.s32 s1, $0xE;
	v9 =	vsel vm3, s26, v9  }
0xbe: {  	v6 =	vsel vm5, s0, v6;
	vm9 =	vcmask $0x3734;
	s29 =	sshrl.u32 s1, $0x1F;
	s1 =	sshra.s32 s1, $0x1F;
	v62 =	vsel vm6, s28, v9  }
0xbf: {  	s30 =	sshrl.u32 s14, $0x1F;
	s31 =	sshra.s32 s14, $0xE;
	v7 =	vperm.xlane v7, v1;
	v6 =	vsel vm6, s29, v6;
	v8 =	vsel vm9, s1, v62  }
0xc0: {  	v5 =	vperm.xlane v5, v1;
	v6 =	vsel vm7, s30, v6;
	v8 =	vsel vm7, s31, v8  }
0xc1: {  	v6 =	vperm.xlane v6, v2;
	v8 =	vperm.xlane v8, v2;
	_ =	sdelay $0x1  }
0xc2: {  	v6 =	vsel vm8, v6, v7;
	v5 =	vsel vm8, v8, v5  }
0xc3: {  	v5 =	vadd.s32 v6, v5  }
0xc4: {  	v6 =	vmul.u32 $0xFFFEE000, v5  }
0xc5: {  	v63 =	vsub.s32 $0x0, v4  }
0xc6: {  	vm9 =	vlt.s32 v4, $0x1;
	vm10 =	vne.s32 v6, v63  }
0xc7: {  	vm9 =	vmand vm9, vm10  }
0xc8: {  	s12 =	sadd.s32 $0x1, s12;
	v4 =	vsel vm9, $0xFFFFFFFF, v0  }
0xc9: {  	p0 =	sne.s32 s12, $0x36;
	v4 =	vadd.s32 v4, v5  }
.Ltmp1:
0xca: {  	_ = 	snop;
	(pc) =	sbr.rel @p0 .LBB2_2-.Ltmp1, $2  }
0xcb: {  	_ =	sdelay $0x2  }
0xcc: {  	vm10 =	vmmov vm14;
	vm9 =	vmmov vm13;
	[tilespmem:v4+s3+$0x0] =	vst.idx.add.s32.msk $0xffff, v3  }
0xcd: {  	s0 =	rddreg [dreg:$0x4]  }
0xce: {  	s1 =	simm.s32 $0x80;
	s2 =	simm.s32 $0x400;
	s29 =	simm.s32 $0x1  }
0xcf: {  	[hbm4b:s0+s1] =	stream.strided.scatter [tilespmem:s3], [sflag:$0x1], $0x300, s2, s1, $0x38;
	[tilespmem:$0x2300] =	vst v63  }
0xd0: {  	_ =	swait.ge [sflag:s29], $0x300  }
0xd1: {  	s30 =	rddreg [dreg:$0x6]  }
0xd2: {  	s31 =	rddreg [dreg:$0x5];
	s2 =	sadd.s32 $0x1, s30  }
0xd3: {  	p0 =	sne.s32 s2, s31  }
.Ltmp2:
0xd4: {  	_ = 	snop;
	(pc) =	sbr.rel @p0 .LBB2_1-.Ltmp2, $3  }
0xd5: {  	_ =	sdelay $0x1  }
0xd6: {  	[sflag:s29] =	ssyncset.done $0x0  }
0xd7: {  	[sflag:s29] =	ssyncadd.s32 $0xFFFFFD00  }
0xd8: {  	_ =	sfence.sel $0x180000  }
0xd9: {  	[bflag:$0x0] =	sbarrier.arrive $0xFFFF  }
0xda: {  	_ =	strace $0x9000004A  }
0xdb: {  	s0 =	stileid.u32;
	[bflag:$0x2] =	sbarrier.arrive $0xFFFF  }
0xdc: {  	p0 =	sne.s32 s0, $0x0;
	s0 =	rddreg [dreg:$0x2]  }
0xdd: {  	s0 =	sadd.s32 @!p0 $0x100000, s0  }
0xde: {  	[sflag:s0] =	ssyncadd.tile.s32 @!p0 $0x1;
	_ =	shalt  }
.Lfunc_end2:
_tile_overlayer_lowered:
.L_overlay_start_2:
0xdf: {  	(tag) =	ssettag $0x2  }
0xe0: {  	s0 =	rddreg [dreg:$0x0];
	s2 =	stileid.u32  }
0xe1: {  	s1 =	rddreg [dreg:$0x1];
	p0 =	sne.s32 s2, $0x0  }
0xe2: {  	s3 =	rddreg [dreg:$0x2];
	[bflag:$0x3] =	sbarrier.arrive $0xFFFF;
	s2 =	simm.s32 @!p0 $0x1C01  }
0xe3: {  	[timem:s3], [sflag:s2] =	dma.local @!p0 [hbm:s0], s1  }
0xe4: {  	s0 =	simm.s32 @!p0 $0x1  }
0xe5: {  	_ =	swait.ge @!p0 [sflag:s0], s1  }
0xe6: {  	s1 =	ssub.s32 @!p0 $0x0, s1;
	[sflag:s0] =	ssyncset.done @!p0 $0x0  }
0xe7: {  	[sflag:s0] =	ssyncadd.s32 @!p0 s1  }
0xe8: {  	[bflag:$0x3] =	sbarrier.arrive $0xFFFF  }
0xe9: {  	_ =	shalt  }

// kernel: kernel.7.cloned.1.call-start
scs
__scs_entry_jumppad:
0x0: {  	(pc) =	sbr.rel $0x88, $3  }
0x1: {  	(tag) =	ssettag $0x0;
	lr =	simm.s32 $0x1  }
0x2: {  	[smem:$0x3F9F] =	sst lr;
	_ =	strace $0xD0000000  }
0x3: {  	_ = 	snop  }
0x4: {  	_ = 	snop  }
0x5: {  	_ = 	snop  }
0x6: {  	_ = 	snop  }
0x7: {  	_ = 	snop  }
__scs_overlays_trampoline_lowered:
0x8: {  	[smem:$0x3FAE] =	sst s0  }
0x9: {  	[smem:$0x3FAF] =	sst s1  }
0xa: {  	[smem:$0x3FB0] =	sst s2  }
0xb: {  	[smem:$0x3FB1] =	sst s3  }
0xc: {  	[smem:$0x3FB2] =	sst s4  }
0xd: {  	[smem:$0x3FB3] =	sst s5  }
0xe: {  	[smem:$0x3FB4] =	sst s6  }
0xf: {  	[smem:$0x3FB5] =	sst s7  }
0x10: {  	[smem:$0x3FB6] =	sst s8  }
0x11: {  	[smem:$0x3FB7] =	sst s9;
	s0 =	simm.s32 @!p0 $0x0  }
0x12: {  	s1 =	sld [smem:$0x3F9D];
	s0 =	simm.s32 @p0 $0x1  }
0x13: {  	[smem:$0x3FB8] =	sst s0;
	s0 =	simm.s32 @!p1 $0x0  }
0x14: {  	s2 =	sld [smem:$0x3F9C];
	s0 =	simm.s32 @p1 $0x1  }
0x15: {  	[smem:$0x3FB9] =	sst s0;
	s0 =	simm.s32 @!p2 $0x0  }
0x16: {  	s3 =	sld [smem:$0x3FDB];
	s0 =	simm.s32 @p2 $0x1  }
0x17: {  	s4 =	simm.s32 $0x1BF5;
	[smem:$0x3FBB] =	sst s0  }
0x18: {  	s0 =	sld [smem:$0x3F9E];
	_ =	swait.ge [sflag:s4], $0x0  }
0x19: {  	s7 =	sld [smem:$0x3F9F]  }
0x1a: {  	s8 =	sadd.s32 $0xFFFFE003, lr  }
0x1b: {  	s9 =	sadd.s32 $0xFFFFFEF7, lr;
	s5 =	simm.s32 $0xFFFFFFFF;
	p2 =	slt.u32 s8, $0xFFFFF086  }
0x1c: {  	p1 =	slt.u32 s9, $0xF7A;
	s5 =	simm.s32 @!p2 $0x0  }
0x1d: {  	s5 =	simm.s32 @p1 $0x1;
	p0 =	seq.s32 s7, s2  }
0x1e: {  	s7 =	smul.u32 @!p0 $0xF7A, s2;
	p2 =	seq.s32 @!p0 s5, $0x0  }
0x1f: {  	s9 =	smul.u32 $0xF7A, s1;
	s8 =	simm.s32 @!p0 $0x1BF5;
	p2 =	por !p2, p0  }
0x20: {  	[sflag:s8] =	ssyncset.s32 @!p0 $0xFFFFF086;
	s6 =	sadd.s32 @!p0 s3, s7;
	s7 =	simm.s32 @!p0 $0x108  }
0x21: {  	s3 =	sadd.s32 s3, s9;
	s6 =	sadd.s32 @!p0 $0x88, s6;
	s7 =	simm.s32 @p2 $0x1082  }
0x22: {  	[simem:s7], [sflag:s8] =	dma.local @!p0 [hbm:s6], $0xF7A  }
0x23: {  	s9 =	sor.u32 $0xD0000000, s2;
	s6 =	simm.s32 $0x108;
	_ =	swait.ge @!p0 [sflag:s8], $0x0  }
0x24: {  	s3 =	sadd.s32 $0x88, s3;
	s6 =	simm.s32 @!p1 $0x1082;
	[sflag:s4] =	ssyncset.s32 $0xFFFFF086  }
0x25: {  	[simem:s6], [sflag:s4] =	dma.local [hbm:s3], $0xF7A  }
0x26: {  	[smem:$0x3F9F] =	sst s1;
	(tag) =	ssettag s2;
	_ =	strace s9  }
0x27: {  	s1 =	sld [smem:$0x3FAF]  }
0x28: {  	s2 =	sld [smem:$0x3FB0]  }
0x29: {  	s4 =	sld [smem:$0x3FB2]  }
0x2a: {  	p0 =	seq.s32 s5, $0x0;
	s5 =	sld [smem:$0x3FB3]  }
0x2b: {  	s6 =	sld [smem:$0x3FB4]  }
0x2c: {  	s7 =	sld [smem:$0x3FB5]  }
0x2d: {  	s3 =	simm.s32 $0x108;
	s8 =	sld [smem:$0x3FB6]  }
0x2e: {  	s3 =	simm.s32 @!p0 $0x1082;
	s9 =	sld [smem:$0x3FB7]  }
0x2f: {  	lr =	sadd.s32 s0, s3;
	s0 =	sld [smem:$0x3FAE]  }
0x30: {  	s3 =	sld [smem:$0x3FB1]  }
0x31: {  	[smem:$0x3FBA] =	sst s10  }
0x32: {  	s10 =	sld [smem:$0x3FB8];
	_ =	sdelay $0x3  }
0x33: {  	p0 =	seq.s32 s10, $0x1;
	s10 =	sld [smem:$0x3FBA];
	_ =	sdelay $0x3  }
0x34: {  	[smem:$0x3FBA] =	sst s10  }
0x35: {  	s10 =	sld [smem:$0x3FB9];
	_ =	sdelay $0x3  }
0x36: {  	p1 =	seq.s32 s10, $0x1;
	s10 =	sld [smem:$0x3FBA];
	_ =	sdelay $0x3  }
0x37: {  	[smem:$0x3FBA] =	sst s10  }
0x38: {  	s10 =	sld [smem:$0x3FBB]  }
0x39: {  	_ = 	snop;
	(pc) =	sbr.ind lr, $3  }
0x3a: {  	_ = 	snop  }
0x3b: {  	_ = 	snop  }
0x3c: {  	p2 =	seq.s32 s10, $0x1;
	s10 =	sld [smem:$0x3FBA]  }
0x3d: {  	_ =	shalt  }
0x3e: {  	_ =	shalt  }
0x3f: {  	_ =	shalt  }
0x40: {  	_ =	shalt  }
0x41: {  	_ =	shalt  }
0x42: {  	_ =	shalt  }
0x43: {  	_ =	shalt  }
0x44: {  	_ =	shalt  }
0x45: {  	_ =	shalt  }
0x46: {  	_ =	shalt  }
0x47: {  	_ =	shalt  }
0x48: {  	_ =	shalt  }
0x49: {  	_ =	shalt  }
0x4a: {  	_ =	shalt  }
0x4b: {  	_ =	shalt  }
0x4c: {  	_ =	shalt  }
0x4d: {  	_ =	shalt  }
0x4e: {  	_ =	shalt  }
0x4f: {  	_ =	shalt  }
0x50: {  	_ =	shalt  }
0x51: {  	_ =	shalt  }
0x52: {  	_ =	shalt  }
0x53: {  	_ =	shalt  }
0x54: {  	_ =	shalt  }
0x55: {  	_ =	shalt  }
0x56: {  	_ =	shalt  }
0x57: {  	_ =	shalt  }
0x58: {  	_ =	shalt  }
0x59: {  	_ =	shalt  }
0x5a: {  	_ =	shalt  }
0x5b: {  	_ =	shalt  }
0x5c: {  	_ =	shalt  }
0x5d: {  	_ =	shalt  }
0x5e: {  	_ =	shalt  }
0x5f: {  	_ =	shalt  }
0x60: {  	_ =	shalt  }
0x61: {  	_ =	shalt  }
0x62: {  	_ =	shalt  }
0x63: {  	_ =	shalt  }
0x64: {  	_ =	shalt  }
0x65: {  	_ =	shalt  }
0x66: {  	_ =	shalt  }
0x67: {  	_ =	shalt  }
0x68: {  	_ =	shalt  }
0x69: {  	_ =	shalt  }
0x6a: {  	_ =	shalt  }
0x6b: {  	_ =	shalt  }
0x6c: {  	_ =	shalt  }
0x6d: {  	_ =	shalt  }
0x6e: {  	_ =	shalt  }
0x6f: {  	_ =	shalt  }
0x70: {  	_ =	shalt  }
0x71: {  	_ =	shalt  }
0x72: {  	_ =	shalt  }
0x73: {  	_ =	shalt  }
0x74: {  	_ =	shalt  }
0x75: {  	_ =	shalt  }
0x76: {  	_ =	shalt  }
0x77: {  	_ =	shalt  }
0x78: {  	_ =	shalt  }
0x79: {  	_ =	shalt  }
0x7a: {  	_ =	shalt  }
0x7b: {  	_ =	shalt  }
0x7c: {  	_ =	shalt  }
0x7d: {  	_ =	shalt  }
0x7e: {  	_ =	shalt  }
0x7f: {  	_ =	shalt  }
0x80: {  	_ =	shalt  }
0x81: {  	_ =	shalt  }
0x82: {  	_ =	shalt  }
0x83: {  	_ =	shalt  }
0x84: {  	_ =	shalt  }
0x85: {  	_ =	shalt  }
0x86: {  	_ =	shalt  }
0x87: {  	_ =	shalt  }
.Lfunc_end0:
.L_simem_size_0:
called_computation.2_lowered:
.L_overlay_start_0:
0x88: {  	s2 =	sld [smem:$0x3FD9]  }
0x89: {  	s3 =	sld [smem:$0x3FFE];
	_ =	sdelay $0x1  }
0x8a: {  	s1 =	srdreg.scid  }
0x8b: {  	s0 =	sand.u32 $0x1, s1  }
0x8c: {  	s17 =	sshll.u32 s0, $0xA;
	s2 =	sadd.s32 s3, s2  }
0x8d: {  	s2 =	sadd.s32 s2, s17  }
0x8e: {  	[smem:$0x3FC6] =	sst s2  }
0x8f: {  	_ = 	snop  }
0x90: {  	s2 =	sld [smem:$0x3FD0];
	(tm) =	ssettm $0x1  }
0x91: {  	s18 =	sld [smem:$0x3FFB];
	_ =	sdelay $0x3  }
0x92: {  	_ =	strace s18  }
0x93: {  	s3 =	sld [smem:$0x3FFC];
	_ =	sdelay $0x3  }
0x94: {  	_ =	strace s3  }
0x95: {  	s3 =	sld [smem:$0x3FFD];
	_ =	sdelay $0x3  }
0x96: {  	_ =	strace s3  }
0x97: {  	_ =	strace $0x8FFFFFFF  }
0x98: {  	s19 =	sld [smem:$0x3FDB];
	_ =	sdelay $0x1  }
0x99: {  	s4 =	simm.s32 $_scs_section_size  }
0x9a: {  	s5 =	simm.s32 $_size__tile_overlayer_lowered;
	s6 =	simm.s32 $_tile_overlayer_lowered  }
0x9b: {  	s22 =	simm.s32 $0x1BFF;
	s21 =	sshll.u32 s6, $0x1;
	s3 =	sadd.s32 s4, s19  }
0x9c: {  	s7 =	simm.s32 $0x0;
	s20 =	sshll.u32 s5, $0x1;
	s5 =	sadd.s32 s21, s3  }
0x9d: {  	[timem:s7], [sflag:s22] =	dma.local [hbm:s5], s20  }
0x9e: {  	_ =	swait.ge [sflag:s22], s20  }
0x9f: {  	s4 =	ssub.s32 $0x0, s20;
	[sflag:s22] =	ssyncset.done $0x0  }
0xa0: {  	[sflag:s22] =	ssyncadd.s32 s4;
	_ =	sdelay $0x1  }
0xa1: {  	s23 =	simm.s32 $0x1B8B  }
0xa2: {  	_ =	swait.ge [sflag:s23], $0x1  }
0xa3: {  	[sflag:s23] =	ssyncset.done $0x0  }
0xa4: {  	s25 =	simm.s32 $0x1B8E;
	s24 =	sld [smem:$0x3FFE];
	[sflag:s23] =	ssyncadd.s32 $0xFFFFFFFF  }
0xa5: {  	s26 =	simm.s32 $execute0_lowered;
	[smem:$0x3FD2] =	sst s25  }
0xa6: {  	s5 =	sshll.u32 s26, $0x1;
	_ =	strace $0x8000004C;
	[dreg:$0x1] =	wrdreg $0xFFFFFFFF  }
0xa7: {  	s28 =	simm.s32 $_size_execute0_lowered;
	s3 =	sadd.s32 s3, s5;
	[dreg:$0x0] =	wrdreg $0x0  }
0xa8: {  	s5 =	sshll.u32 s28, $0x1;
	[dreg:$0x2] =	wrdreg s3  }
0xa9: {  	[dreg:$0x3] =	wrdreg s5  }
0xaa: {  	[dreg:$0x4] =	wrdreg $0xC0  }
0xab: {  	_ =	task [dreg:s7], $0x5FFFF  }
0xac: {  	[dreg:$0x1] =	wrdreg $0xFFFFFFFF  }
0xad: {  	[dreg:$0x0] =	wrdreg $0x60  }
0xae: {  	[dreg:$0x2] =	wrdreg s24  }
0xaf: {  	[dreg:$0x3] =	wrdreg s2  }
0xb0: {  	[dreg:$0x4] =	wrdreg $0x9  }
0xb1: {  	_ =	task.clear_ibuf [dreg:s7], $0x5FFFF;
	_ =	strace $0x9000004C  }
0xb2: {  	s29 =	simm.s32 $0x9;
	_ =	strace $0x8000004E  }
0xb3: {  	_ =	swait.ge [sflag:s29], $0x1  }
0xb4: {  	[sflag:s29] =	ssyncadd.s32 $0xFFFFFFFF  }
0xb5: {  	_ =	strace $0x9000004E  }
0xb6: {  	_ =	sfence  }
0xb7: {  	s30 =	sld [smem:$0x0];
	_ =	sdelay $0x2  }
0xb8: {  	s31 =	sshll.u32 s1, $0xD;
	s1 =	sshrl.u32 s1, $0x2  }
0xb9: {  	s3 =	sand.u32 $0x4000, s31;
	s1 =	sadd.s32 s1, s30  }
0xba: {  	s0 =	sor.u32 s3, s0;
	s1 =	sshll.u32 s1, $0x11  }
0xbb: {  	s0 =	sor.u32 s1, s0  }
0xbc: {  	s0 =	sadd.s32 $0x8F2B, s0  }
0xbd: {  	[sflag:s0] =	ssyncadd.remote.s32 $0x1  }
0xbe: {  	_ =	sfence.sel $0xFFFF  }
0xbf: {  	[dreg:$0x0] =	wrdreg $0xFFFFFFFF;
	(pc) =	sbr.abs _section_cstart, $3  }
0xc0: {  	[dreg:$0x1] =	wrdreg $0xFFFFFFFF  }
0xc1: {  	_ =	task.clear_ibuf [dreg:s7], $0x2FFFF;
	_ =	strace $0x9FFFFFFF  }
0xc2: {  	(tm) =	ssettm $0x7FFFFFFF  }
0xc3: {  	_ =	shalt  }
tec
execute0_lowered:
.L_overlay_start_1:
0x0: {  	(tag) =	ssettag $0x1  }
0x1: {  	s6 =	rddreg [dreg:$0x0]  }
0x2: {  	s1 =	rddreg [dreg:$0x1]  }
0x3: {  	s0 =	rddreg [dreg:$0x2];
	s3 =	simm.s32 $0x0  }
0x4: {  	s4 =	srdreg.scid;
	s2 =	stileid.u32;
	s11 =	simm.s32 $0x12000  }
0x5: {  	s12 =	simm.s32 $0x14000;
	s13 =	simm.s32 $0x0;
	[smem:$0x7FF] =	sst s3  }
.Ltmp0:
0x6: {  	s7 =	sand.u32 $0x1, s4;
	s4 =	sadd.s32 $0x1B0C00, s6;
	(pc) =	sbr.rel .LBB2_1-.Ltmp0, $4  }
0x7: {  	s9 =	sshll.u32 s2, $0x1;
	s5 =	sadd.s32 $0xC00, s6;
	s8 =	ssub.s32 $0x2, s7  }
0x8: {  	s6 =	sadd.s32 $0x360C00, s6;
	_ =	strace $0x8000004D;
	s10 =	sshrl.u32 s8, $0x1  }
0x9: {  	s7 =	sor.u32 s7, s9;
	s9 =	simm.s32 $0x16000;
	s8 =	ssub.s32 s8, s10  }
0xa: {  	v0 =	vlaneseq.u32;
	v1 =	vimm.f32 $0.0e+00;
	s7 =	smul.u32 $0x18, s7;
	s10 =	simm.s32 $0x1;
	s8 =	smax.u32 s8, $0x1  }
.LBB2_10:
0xb: {  	s13 =	sadd.s32 $0x1, s13  }
0xc: {  	p0 =	sne.s32 s13, s8  }
.Ltmp1:
0xd: {  	_ = 	snop;
	(pc) =	sbr.rel @!p0 .LBB2_11-.Ltmp1, $1  }
0xe: {  	_ =	sdelay $0x3  }
.LBB2_1:
.Ltmp2:
0xf: {  	(pc) =	sbr.rel .LBB2_2-.Ltmp2, $2  }
0x10: {  	_ =	sdelay $0x2  }
0x11: {  	s14 =	simm.s32 $0x0  }
.LBB2_9:
0x12: {  	s14 =	sadd.s32 $0x1, s14  }
0x13: {  	s15 =	sshrl.u32 s16, $0x3;
	p0 =	sne.s32 s14, $0x18  }
.Ltmp3:
0x14: {  	s15 =	sadd.s32 s6, s15;
	(pc) =	sbr.rel @!p0 .LBB2_10-.Ltmp3, $4  }
0x15: {  	[hbm4b:s15+s3] =	stream.linear.scatter [tilespmem:s3], [sflag:$0x1], $0x12000, $0x38;
	[tilespmem:$0x16080] =	vst v63  }
0x16: {  	_ =	swait.ge [sflag:s10], $0x12000  }
0x17: {  	[sflag:s10] =	ssyncset.done $0x0  }
0x18: {  	[sflag:s10] =	ssyncadd.s32 $0xFFFEE000  }
.LBB2_2:
0x19: {  	s16 =	sadd.s32 s7, s14;
	s17 =	sand.u32 $0x7, s14  }
0x1a: {  	s15 =	ssub.s32 s16, s17  }
0x1b: {  	s15 =	sshrl.u32 s15, $0x3  }
0x1c: {  	s18 =	simm.s32 $0x0;
	s15 =	sadd.s32 s1, s15  }
0x1d: {  	[tilespmem:s9], [sflag:$0x1] =	stream.linear.gather [hbm4b:s15+s18], $0x10, $0x38;
	[tilespmem:$0x16080] =	vst v63  }
0x1e: {  	_ =	swait.ge [sflag:s10], $0x10  }
0x1f: {  	[sflag:s10] =	ssyncset.done $0x0  }
0x20: {  	[sflag:s10] =	ssyncadd.s32 $0xFFFFFFF0  }
0x21: {  	v2 =	vld [tilespmem:$0x16000];
	_ =	sdelay $0x3  }
0x22: {  	v3 =	vmov s17  }
0x23: {  	vm0 =	veq.s32 v3, v0;
	v2 =	vxor.u32 $0x80000000, v2  }
0x24: {  	v3 =	vnsel vm0, $0x80000000, v2  }
0x25: {  	(xrf0) =	vmax.scan.msk.u32 $0xffff, v3;
	_ =	sdelay $0x5  }
0x26: {  	v3, _, _ =	vpop (xrf0)  }
0x27: {  	(v2sf) =	vpush v3, $0xF;
	_ =	sdelay $0xe  }
0x28: {  	s30 =	spop (v2sf)  }
0x29: {  	s31 =	sxor.u32 $0x80000000, s30;
	s15 =	sand.u32 $0x7, s30  }
0x2a: {  	s19 =	simm.s32 $0x200;
	s18 =	simm.s32 $0x0;
	s15 =	ssub.s32 s31, s15  }
.LBB2_3:
0x2b: {  	p0 =	seq.s32 s19, $0x47E00;
	[tilespmem:s18+$0x70] =	vst v1  }
0x2c: {  	[tilespmem:s18+$0x0] =	vst v1  }
0x2d: {  	[tilespmem:s18+$0x10] =	vst v1  }
.Ltmp4:
0x2e: {  	[tilespmem:s18+$0x20] =	vst v1;
	(pc) =	sbr.rel @!p0 .LBB2_3-.Ltmp4, $4  }
0x2f: {  	[tilespmem:s18+$0x30] =	vst v1  }
0x30: {  	[tilespmem:s18+$0x40] =	vst v1  }
0x31: {  	[tilespmem:s18+$0x50] =	vst v1  }
0x32: {  	[tilespmem:s18+$0x60] =	vst v1;
	s18 =	sshra.s32 s19, $0x2;
	s19 =	sadd.s32 $0x200, s19  }
0x33: {  	s17 =	sadd.s32 $0x1, s17  }
0x34: {  	v3 =	vmov s17  }
0x35: {  	vm0 =	veq.s32 v3, v0  }
0x36: {  	v2 =	vnsel vm0, $0x80000000, v2  }
0x37: {  	(xrf0) =	vmax.scan.msk.u32 $0xffff, v2;
	_ =	sdelay $0x5  }
0x38: {  	v2, _, _ =	vpop (xrf0)  }
0x39: {  	(v2sf) =	vpush v2, $0xF;
	_ =	sdelay $0xd  }
0x3a: {  	[tilespmem:s18+$0x70] =	vst v1  }
0x3b: {  	[tilespmem:s18+$0x0] =	vst v1;
	s29 =	spop (v2sf)  }
0x3c: {  	[tilespmem:s18+$0x10] =	vst v1;
	s17 =	sxor.u32 $0x80000000, s29  }
0x3d: {  	[tilespmem:s18+$0x20] =	vst v1;
	s17 =	ssub.s32 s17, s15  }
0x3e: {  	[tilespmem:s18+$0x30] =	vst v1;
	s17 =	sadd.s32 $0x1FFF, s17  }
0x3f: {  	[tilespmem:s18+$0x40] =	vst v1;
	s30 =	sand.u32 $0x1FFF, s17  }
0x40: {  	[tilespmem:s18+$0x50] =	vst v1;
	s31 =	sshra.s32 s17, $0x1F;
	p1 =	slt.s32 s17, $0x1;
	p0 =	sne.s32 s30, $0x0  }
0x41: {  	[tilespmem:s18+$0x60] =	vst v1;
	s18 =	sshrl.u32 s31, $0x13;
	p0 =	por !p1, !p0  }
0x42: {  	s17 =	sadd.s32 s18, s17;
	s18 =	simm.s32 $0x1;
	p0 =	por !p0, !p0  }
0x43: {  	s17 =	sshra.s32 s17, $0xD;
	s18 =	simm.s32 @!p0 $0x0  }
0x44: {  	s17 =	ssub.s32 s17, s18  }
0x45: {  	p0 =	slt.s32 s17, $0x1  }
.Ltmp5:
0x46: {  	_ = 	snop;
	(pc) =	sbr.rel @p0 .LBB2_9-.Ltmp5, $2  }
0x47: {  	_ =	sdelay $0x2  }
0x48: {  	s16 =	smul.u32 $0x12000, s16  }
0x49: {  	_ = 	snop  }
0x4a: {  	s18 =	simm.s32 $0x0;
	s19 =	simm.s32 $0x0;
	v2 =	vmov s16  }
.LBB2_6:
0x4b: {  	s20 =	sshll.u32 s19, $0xD  }
0x4c: {  	s20 =	sadd.s32 s15, s20  }
0x4d: {  	p0 =	slt.s32 s20, $0xD7E000  }
0x4e: {  	s20 =	simm.s32 @!p0 $0xD7E000  }
0x4f: {  	s20 =	sshrl.u32 s20, $0x3  }
0x50: {  	s21 =	sadd.s32 s4, s20  }
0x51: {  	[tilespmem:s11], [sflag:$0x1] =	stream.linear.gather [hbm4b:s21+s18], $0x2000, $0x38;
	[tilespmem:$0x16080] =	vst v63  }
0x52: {  	_ =	swait.ge [sflag:s10], $0x2000  }
0x53: {  	[sflag:s10] =	ssyncset.done $0x0  }
0x54: {  	s20 =	sadd.s32 s5, s20;
	[sflag:s10] =	ssyncadd.s32 $0xFFFFE000  }
0x55: {  	[tilespmem:s12], [sflag:$0x1] =	stream.linear.gather [hbm4b:s20+s18], $0x2000, $0x38;
	[tilespmem:$0x16080] =	vst v63  }
0x56: {  	_ =	swait.ge [sflag:s10], $0x2000  }
0x57: {  	[sflag:s10] =	ssyncset.done $0x0  }
0x58: {  	s21 =	simm.s32 $0x40;
	s20 =	simm.s32 $0x0;
	[sflag:s10] =	ssyncadd.s32 $0xFFFFE000  }
.LBB2_7:
0x59: {  	p0 =	sne.s32 s21, $0x7FC0;
	v3 =	vld [tilespmem:s20+$0x12000];
	_ =	sdelay $0x4  }
0x5a: {  	v4 =	vsub.s32 v3, v2  }
0x5b: {  	v3 =	vand.u32 $0x7F, v3;
	vm0 =	vlt.u32 v4, $0x12000;
	v4 =	vand.u32 $0xFFFFFF80, v4  }
0x5c: {  	v5 =	vld [tilespmem:s20+$0x14000];
	v3 =	vor.u32 v3, v4  }
.Ltmp6:
0x5d: {  	(pc) =	sbr.rel @p0 .LBB2_7-.Ltmp6, $2  }
0x5e: {  	_ =	sdelay $0x2  }
0x5f: {  	s20 =	sshra.s32 s21, $0x2;
	s21 =	sadd.s32 $0x40, s21;
	[tilespmem:v3+s3+$0x0] =	vst.idx.msk vm0, v5  }
0x60: {  	v3 =	vld [tilespmem:s20+$0x12000];
	_ =	sdelay $0x4  }
0x61: {  	v4 =	vsub.s32 v3, v2  }
0x62: {  	s19 =	sadd.s32 $0x1, s19;
	v3 =	vand.u32 $0x7F, v3;
	vm0 =	vlt.u32 v4, $0x12000;
	v4 =	vand.u32 $0xFFFFFF80, v4  }
0x63: {  	v5 =	vld [tilespmem:s20+$0x14000];
	p0 =	sne.s32 s19, s17;
	v3 =	vor.u32 v3, v4  }
.Ltmp7:
0x64: {  	_ = 	snop;
	(pc) =	sbr.rel @p0 .LBB2_6-.Ltmp7, $4  }
.Ltmp8:
0x65: {  	_ = 	snop;
	(pc) =	sbr.rel @!p0 .LBB2_9-.Ltmp8, $4  }
0x66: {  	_ = 	snop  }
0x67: {  	_ = 	snop  }
0x68: {  	[tilespmem:v3+s3+$0x0] =	vst.idx.msk vm0, v5  }
0x69: {  	_ = 	snop  }
.LBB2_11:
0x6a: {  	_ =	sfence.sel $0x180000  }
0x6b: {  	[bflag:$0x0] =	sbarrier.arrive $0xFFFF  }
0x6c: {  	p0 =	sne.s32 s2, $0x0;
	_ =	strace $0x9000004D  }
0x6d: {  	s0 =	sadd.s32 @!p0 $0x100000, s0;
	[bflag:$0x2] =	sbarrier.arrive $0xFFFF  }
0x6e: {  	[sflag:s0] =	ssyncadd.tile.s32 @!p0 $0x1;
	_ =	shalt  }
.Lfunc_end2:
_tile_overlayer_lowered:
.L_overlay_start_2:
0x6f: {  	(tag) =	ssettag $0x2  }
0x70: {  	s0 =	rddreg [dreg:$0x0];
	s2 =	stileid.u32  }
0x71: {  	s1 =	rddreg [dreg:$0x1];
	p0 =	sne.s32 s2, $0x0  }
0x72: {  	s3 =	rddreg [dreg:$0x2];
	[bflag:$0x3] =	sbarrier.arrive $0xFFFF;
	s2 =	simm.s32 @!p0 $0x1C01  }
0x73: {  	[timem:s3], [sflag:s2] =	dma.local @!p0 [hbm:s0], s1  }
0x74: {  	s0 =	simm.s32 @!p0 $0x1  }
0x75: {  	_ =	swait.ge @!p0 [sflag:s0], s1  }
0x76: {  	s1 =	ssub.s32 @!p0 $0x0, s1;
	[sflag:s0] =	ssyncset.done @!p0 $0x0  }
0x77: {  	[sflag:s0] =	ssyncadd.s32 @!p0 s1  }
0x78: {  	[bflag:$0x3] =	sbarrier.arrive $0xFFFF  }
0x79: {  	_ =	shalt  }

// kernel: sparse-core-data-format-call.cloned.1.call-start
scs
called_computation_lowered:
.L_overlay_start_0:
0x0: {  	s2 =	sld [smem:$0x3FD9]  }
0x1: {  	s3 =	sld [smem:$0x3FFE];
	_ =	sdelay $0x1  }
0x2: {  	s1 =	srdreg.scid  }
0x3: {  	s0 =	sand.u32 $0x1, s1  }
0x4: {  	s18 =	sshll.u32 s0, $0xA;
	s2 =	sadd.s32 s3, s2  }
0x5: {  	s2 =	sadd.s32 s2, s18  }
0x6: {  	[smem:$0x3FC6] =	sst s2  }
0x7: {  	_ = 	snop  }
0x8: {  	s2 =	sld [smem:$0x3FD0];
	(tm) =	ssettm $0x1  }
0x9: {  	s19 =	sld [smem:$0x3FFB];
	_ =	sdelay $0x3  }
0xa: {  	_ =	strace s19  }
0xb: {  	s3 =	sld [smem:$0x3FFC];
	_ =	sdelay $0x3  }
0xc: {  	_ =	strace s3  }
0xd: {  	s3 =	sld [smem:$0x3FFD];
	_ =	sdelay $0x3  }
0xe: {  	_ =	strace s3  }
0xf: {  	_ =	strace $0x8FFFFFFF  }
0x10: {  	s20 =	sld [smem:$0x3FDB];
	_ =	sdelay $0x1  }
0x11: {  	s4 =	simm.s32 $_scs_section_size  }
0x12: {  	s5 =	simm.s32 $_size__tile_overlayer_lowered;
	s6 =	simm.s32 $_tile_overlayer_lowered  }
0x13: {  	s23 =	simm.s32 $0x1BFF;
	s22 =	sshll.u32 s6, $0x1;
	s3 =	sadd.s32 s4, s20  }
0x14: {  	s7 =	simm.s32 $0x0;
	s21 =	sshll.u32 s5, $0x1;
	s5 =	sadd.s32 s22, s3  }
0x15: {  	[timem:s7], [sflag:s23] =	dma.local [hbm:s5], s21  }
0x16: {  	_ =	swait.ge [sflag:s23], s21  }
0x17: {  	s4 =	ssub.s32 $0x0, s21;
	[sflag:s23] =	ssyncset.done $0x0  }
0x18: {  	[sflag:s23] =	ssyncadd.s32 s4;
	_ =	sdelay $0x1  }
0x19: {  	s24 =	simm.s32 $0x1B8B  }
0x1a: {  	_ =	swait.ge [sflag:s24], $0x1  }
0x1b: {  	[sflag:s24] =	ssyncset.done $0x0  }
0x1c: {  	s26 =	simm.s32 $0x1B8E;
	s25 =	sld [smem:$0x3FFE];
	[sflag:s24] =	ssyncadd.s32 $0xFFFFFFFF  }
0x1d: {  	s27 =	simm.s32 $execute0_lowered;
	[smem:$0x3FD2] =	sst s26  }
0x1e: {  	s5 =	sshll.u32 s27, $0x1;
	_ =	strace $0x80000046;
	[dreg:$0x1] =	wrdreg $0xFFFFFFFF  }
0x1f: {  	s28 =	simm.s32 $_size_execute0_lowered;
	s3 =	sadd.s32 s3, s5;
	[dreg:$0x0] =	wrdreg $0x0  }
0x20: {  	s5 =	sshll.u32 s28, $0x1;
	[dreg:$0x2] =	wrdreg s3  }
0x21: {  	[dreg:$0x3] =	wrdreg s5  }
0x22: {  	[dreg:$0x4] =	wrdreg $0xC0  }
0x23: {  	_ =	task [dreg:s7], $0x5FFFF  }
0x24: {  	[dreg:$0x1] =	wrdreg $0xFFFFFFFF  }
0x25: {  	[dreg:$0x0] =	wrdreg $0x60  }
0x26: {  	[dreg:$0x2] =	wrdreg s2  }
0x27: {  	[dreg:$0x3] =	wrdreg s25  }
0x28: {  	[dreg:$0x4] =	wrdreg $0x9  }
0x29: {  	_ =	task.clear_ibuf [dreg:s7], $0x5FFFF;
	_ =	strace $0x90000046  }
0x2a: {  	s29 =	simm.s32 $0x9;
	_ =	strace $0x80000048  }
0x2b: {  	_ =	swait.ge [sflag:s29], $0x1  }
0x2c: {  	[sflag:s29] =	ssyncadd.s32 $0xFFFFFFFF  }
0x2d: {  	_ =	strace $0x90000048  }
0x2e: {  	_ =	sfence  }
0x2f: {  	s30 =	sld [smem:$0x0];
	_ =	sdelay $0x2  }
0x30: {  	s31 =	sshll.u32 s1, $0xD;
	s1 =	sshrl.u32 s1, $0x2  }
0x31: {  	s3 =	sand.u32 $0x4000, s31;
	s1 =	sadd.s32 s1, s30  }
0x32: {  	s0 =	sor.u32 s3, s0;
	s1 =	sshll.u32 s1, $0x11  }
0x33: {  	s0 =	sor.u32 s1, s0  }
0x34: {  	s0 =	sadd.s32 $0x8F2B, s0  }
0x35: {  	[sflag:s0] =	ssyncadd.remote.s32 $0x1  }
0x36: {  	_ =	sfence.sel $0xFFFF  }
0x37: {  	[dreg:$0x0] =	wrdreg $0xFFFFFFFF;
	(pc) =	sbr.abs _section_cstart, $3  }
0x38: {  	[dreg:$0x1] =	wrdreg $0xFFFFFFFF  }
0x39: {  	_ =	task.clear_ibuf [dreg:s7], $0x2FFFF;
	_ =	strace $0x9FFFFFFF  }
0x3a: {  	(tm) =	ssettm $0x7FFFFFFF  }
0x3b: {  	_ =	shalt  }
tec
execute0_lowered:
.L_overlay_start_1:
0x0: {  	(tag) =	ssettag $0x1  }
0x1: {  	s0 =	srdreg.scid;
	s2 =	rddreg [dreg:$0x0]  }
0x2: {  	s4 =	rddreg [dreg:$0x1];
	s7 =	simm.s32 $0x2;
	s1 =	sshll.u32 s0, $0x4  }
0x3: {  	s14 =	simm.s32 $0x0;
	s0 =	stileid.u32;
	s1 =	sand.u32 $0x10, s1  }
0x4: {  	s8 =	simm.s32 $0x800;
	s9 =	simm.s32 $0x9000;
	s3 =	sor.u32 s0, s1  }
.Ltmp0:
0x5: {  	s10 =	simm.s32 $0x0;
	s5 =	ssub.s32 $0x4F, s3;
	(pc) =	sbr.rel .LBB1_1-.Ltmp0, $4  }
0x6: {  	s15 =	simm.s32 $0x0;
	s1 =	rddreg [dreg:$0x2];
	s6 =	sshrl.u32 s5, $0x5  }
0x7: {  	_ =	strace $0x80000047;
	s5 =	simm.s32 $0x1;
	s6 =	smul.u32 $0x12, s6  }
0x8: {  	s11 =	simm.s32 $0x0;
	s13 =	simm.s32 $0x0;
	[sflag:s5] =	ssyncpa.u1 $0x0  }
0x9: {  	s12 =	smov.u32 s3;
	[sflag:s7] =	ssyncpa.u1 $0x0;
	s7 =	sor.u32 $0x1, s6  }
.LBB1_7:
0xa: {  	s16 =	sadd.s32 $0x10, s11  }
0xb: {  	s14 =	sadd.s32 $0x20, s12;
	s18 =	smov.u32 s12;
	p1 =	sgt.s32 s16, $0x11F  }
0xc: {  	s18 =	smov.u32 @p1 s14  }
0xd: {  	s16 =	simm.s32 @p1 $0x0;
	p1 =	sgt.s32 s18, $0x2F  }
0xe: {  	s18 =	smov.u32 @p1 s3;
	p1 =	sne.s32 s13, s7  }
.Ltmp1:
0xf: {  	p0 =	slt.u32 s13, $0x2;
	(pc) =	sbr.rel @!p1 .LBB1_8-.Ltmp1, $4  }
0x10: {  	s17 =	simm.s32 @!p0 $0x2  }
0x11: {  	s15 =	smov.u32 s12;
	s10 =	sadd.s32 $0x4000, s10;
	_ =	swait.ge @!p0 [sflag:s17], $0x4000  }
0x12: {  	s14 =	smov.u32 s11;
	[sflag:s17] =	ssyncset.done @!p0 $0x0;
	s11 =	smov.u32 s16  }
0x13: {  	s13 =	sadd.s32 $0x1, s13;
	[sflag:s17] =	ssyncadd.s32 @!p0 $0xFFFFC000;
	s12 =	smov.u32 s18  }
.LBB1_1:
0x14: {  	p0 =	sge.u32 s13, s6  }
0x15: {  	s16 =	smul.u32 @!p0 $0x9000, s12  }
0x16: {  	s31 =	sadd.s32 $0xFFFFFFFF, s13;
	s17 =	sxor.u32 @!p0 $0xFFFFFFFF, s13  }
0x17: {  	s18 =	sshll.u32 @!p0 s11, $0x7;
	s17 =	sshll.u32 @!p0 s17, $0xE;
	s16 =	sadd.s32 @!p0 s2, s16  }
0x18: {  	s17 =	sand.u32 @!p0 $0x4000, s17;
	s16 =	sadd.s32 @!p0 s18, s16;
	s18 =	simm.s32 @!p0 $0x0  }
0x19: {  	[tilespmem:s17], [sflag:$0x1] =	stream.linear.gather @!p0 [hbm4b:s16+s18], $0x4000, $0x38;
	[tilespmem:$0x10000] =	vst v63  }
0x1a: {  	p0 =	sge.u32 s31, s6  }
.Ltmp2:
0x1b: {  	_ = 	snop;
	(pc) =	sbr.rel @p0 .LBB1_7-.Ltmp2, $1  }
0x1c: {  	_ =	sdelay $0x3  }
0x1d: {  	s16 =	sand.u32 $0x4000, s10  }
0x1e: {  	_ =	swait.ge [sflag:s5], $0x4000;
	s19 =	sshll.u32 s13, $0xE;
	s17 =	sor.u32 $0x8040, s16  }
0x1f: {  	s18 =	sor.u32 $0x40, s16;
	[sflag:s5] =	ssyncset.done $0x0;
	s31 =	sand.u32 $0x4000, s19  }
0x20: {  	s19 =	simm.s32 $0x0;
	[sflag:s5] =	ssyncadd.s32 $0xFFFFC000;
	s16 =	sor.u32 $0x8000, s31  }
.LBB1_3:
0x21: {  	v0 =	vmov s18;
	_ =	sdelay $0x3  }
0x22: {  	s21 =	simm.s32 $0x0  }
0x23: {  	v6 =	vld.idx.msk [tilespmem:v0+s21+$0x30 ss:$0x1], $0xffff  }
0x24: {  	v7 =	vld.idx.msk [tilespmem:v0+s21+$0xFFFFFFC0 ss:$0x1], $0xffff  }
0x25: {  	v5 =	vld.idx.msk [tilespmem:v0+s21+$0xFFFFFFD0 ss:$0x1], $0xffff  }
0x26: {  	v4 =	vld.idx.msk [tilespmem:v0+s21+$0xFFFFFFE0 ss:$0x1], $0xffff  }
0x27: {  	v3 =	vld.idx.msk [tilespmem:v0+s21+$0xFFFFFFF0 ss:$0x1], $0xffff  }
0x28: {  	v1 =	vld.idx.msk [tilespmem:v0+s21+$0x0 ss:$0x1], $0xffff  }
0x29: {  	v2 =	vld.idx.msk [tilespmem:v0+s21+$0x10 ss:$0x1], $0xffff;
	[tilespmem:s17+$0x30] =	vst v6  }
0x2a: {  	s20 =	simm.s32 $0x80;
	s22 =	simm.s32 $0x400;
	[tilespmem:s17+$0xFFFFFFC0] =	vst v7;
	v6 =	vld.idx.msk [tilespmem:v0+s21+$0x20 ss:$0x1], $0xffff;
	s21 =	smov.u32 s17  }
.LBB1_4:
0x2b: {  	p0 =	sne.s32 s22, $0xE00;
	v7 =	vld.idx.msk [tilespmem:v0+s20+$0x30 ss:$0x1], $0xffff;
	[tilespmem:s21+$0xFFFFFFD0] =	vst v5  }
0x2c: {  	v8 =	vld.idx.msk [tilespmem:v0+s20+$0xFFFFFFC0 ss:$0x1], $0xffff;
	[tilespmem:s21+$0xFFFFFFE0] =	vst v4  }
0x2d: {  	v5 =	vld.idx.msk [tilespmem:v0+s20+$0xFFFFFFD0 ss:$0x1], $0xffff;
	[tilespmem:s21+$0xFFFFFFF0] =	vst v3  }
.Ltmp3:
0x2e: {  	v4 =	vld.idx.msk [tilespmem:v0+s20+$0xFFFFFFE0 ss:$0x1], $0xffff;
	[tilespmem:s21+$0x0] =	vst v1;
	(pc) =	sbr.rel @p0 .LBB1_4-.Ltmp3, $4  }
0x2f: {  	v3 =	vld.idx.msk [tilespmem:v0+s20+$0xFFFFFFF0 ss:$0x1], $0xffff;
	[tilespmem:s21+$0x10] =	vst v2  }
0x30: {  	v1 =	vld.idx.msk [tilespmem:v0+s20+$0x0 ss:$0x1], $0xffff;
	[tilespmem:s21+$0x20] =	vst v6;
	s21 =	sadd.s32 $0x800, s21  }
0x31: {  	v2 =	vld.idx.msk [tilespmem:v0+s20+$0x10 ss:$0x1], $0xffff;
	[tilespmem:s21+$0x30] =	vst v7  }
0x32: {  	[tilespmem:s21+$0xFFFFFFC0] =	vst v8;
	v6 =	vld.idx.msk [tilespmem:v0+s20+$0x20 ss:$0x1], $0xffff;
	s20 =	sshra.s32 s22, $0x2;
	s22 =	sadd.s32 $0x200, s22  }
0x33: {  	_ =	sdelay $0x2  }
0x34: {  	[tilespmem:s21+$0xFFFFFFD0] =	vst v5  }
0x35: {  	v56 =	vld.idx.msk [tilespmem:v0+s20+$0x30 ss:$0x1], $0xffff;
	[tilespmem:s21+$0xFFFFFFE0] =	vst v4  }
0x36: {  	v57 =	vld.idx.msk [tilespmem:v0+s20+$0xFFFFFFC0 ss:$0x1], $0xffff;
	[tilespmem:s21+$0xFFFFFFF0] =	vst v3  }
0x37: {  	v58 =	vld.idx.msk [tilespmem:v0+s20+$0xFFFFFFD0 ss:$0x1], $0xffff;
	[tilespmem:s21+$0x0] =	vst v1  }
0x38: {  	v59 =	vld.idx.msk [tilespmem:v0+s20+$0xFFFFFFE0 ss:$0x1], $0xffff;
	[tilespmem:s21+$0x10] =	vst v2  }
0x39: {  	v60 =	vld.idx.msk [tilespmem:v0+s20+$0xFFFFFFF0 ss:$0x1], $0xffff;
	s31 =	sadd.s32 $0x800, s21;
	[tilespmem:s21+$0x20] =	vst v6  }
0x3a: {  	v61 =	vld.idx.msk [tilespmem:v0+s20+$0x0 ss:$0x1], $0xffff;
	[tilespmem:s31+$0x30] =	vst v56  }
0x3b: {  	v62 =	vld.idx.msk [tilespmem:v0+s20+$0x10 ss:$0x1], $0xffff;
	s19 =	sadd.s32 $0x1, s19;
	[tilespmem:s31+$0xFFFFFFC0] =	vst v57  }
0x3c: {  	v63 =	vld.idx.msk [tilespmem:v0+s20+$0x20 ss:$0x1], $0xffff;
	p0 =	sne.s32 s19, $0x10;
	[tilespmem:s31+$0xFFFFFFD0] =	vst v58  }
.Ltmp4:
0x3d: {  	[tilespmem:s31+$0xFFFFFFE0] =	vst v59;
	(pc) =	sbr.rel @p0 .LBB1_3-.Ltmp4, $4  }
0x3e: {  	[tilespmem:s31+$0xFFFFFFF0] =	vst v60  }
0x3f: {  	[tilespmem:s31+$0x0] =	vst v61  }
0x40: {  	[tilespmem:s31+$0x10] =	vst v62  }
0x41: {  	s17 =	sadd.s32 $0x80, s17;
	s18 =	sadd.s32 $0x400, s18;
	[tilespmem:s31+$0x20] =	vst v63  }
0x42: {  	s14 =	sand.u32 $0x1FFFFFF, s14  }
0x43: {  	s17 =	smulhi.u32 $0xE38E39, s14  }
0x44: {  	s15 =	smul.u32 $0x9000, s15  }
0x45: {  	s17 =	smul.u32 $0x120, s17  }
.Ltmp5:
0x46: {  	_ = 	snop;
	(pc) =	sbr.rel .LBB1_7-.Ltmp5, $4  }
0x47: {  	s14 =	ssub.s32 s14, s17  }
0x48: {  	s15 =	sadd.s32 s4, s15;
	s14 =	sshll.u32 s14, $0x4  }
0x49: {  	s14 =	sadd.s32 s14, s15  }
0x4a: {  	[hbm4b:s14+s8] =	stream.strided.scatter [tilespmem:s16], [sflag:$0x2], $0x4000, s9, s8, $0x38;
	[tilespmem:$0x10000] =	vst v63  }
.LBB1_8:
0x4b: {  	_ =	sfence.sel $0x180000  }
0x4c: {  	s2 =	simm.s32 $0x1;
	[bflag:$0x0] =	sbarrier.arrive $0xFFFF  }
0x4d: {  	s31 =	simm.s32 $0x2;
	[sflag:s2] =	ssyncpa.u1 $0x1  }
0x4e: {  	[sflag:s31] =	ssyncpa.u1 $0x1  }
0x4f: {  	p0 =	sne.s32 s0, $0x0;
	_ =	strace $0x90000047  }
0x50: {  	s0 =	sadd.s32 @!p0 $0x100000, s1;
	[bflag:$0x2] =	sbarrier.arrive $0xFFFF  }
0x51: {  	[sflag:s0] =	ssyncadd.tile.s32 @!p0 $0x1;
	_ =	shalt  }
.Lfunc_end1:
_tile_overlayer_lowered:
.L_overlay_start_2:
0x52: {  	(tag) =	ssettag $0x2  }
0x53: {  	s0 =	rddreg [dreg:$0x0];
	s2 =	stileid.u32  }
0x54: {  	s1 =	rddreg [dreg:$0x1];
	p0 =	sne.s32 s2, $0x0  }
0x55: {  	s3 =	rddreg [dreg:$0x2];
	[bflag:$0x3] =	sbarrier.arrive $0xFFFF;
	s2 =	simm.s32 @!p0 $0x1C01  }
0x56: {  	[timem:s3], [sflag:s2] =	dma.local @!p0 [hbm:s0], s1  }
0x57: {  	s0 =	simm.s32 @!p0 $0x1  }
0x58: {  	_ =	swait.ge @!p0 [sflag:s0], s1  }
0x59: {  	s1 =	ssub.s32 @!p0 $0x0, s1;
	[sflag:s0] =	ssyncset.done @!p0 $0x0  }
0x5a: {  	[sflag:s0] =	ssyncadd.s32 @!p0 s1  }
0x5b: {  	[bflag:$0x3] =	sbarrier.arrive $0xFFFF  }
0x5c: {  	_ =	shalt  }

</sc_bundles>
